<compile_context>
chip_gen: v7x
topology: tpu7x:2x2x1
jax: 0.10.2.dev20260603
libtpu: 0.0.44.dev20260713+nightly
codegen_flags: <defaults>
</compile_context>

<pallas_src>
import functools

import jax
import jax.numpy as jnp
from jax import lax
from jax.experimental import pallas as pl
from jax.experimental.pallas import tpu as pltpu
from jax.experimental.pallas import tpu_sc as plsc

_ROWS = 16384
_COLS = 2048
_N = _ROWS * _COLS

_SC_ROWS = 512
_NSC = _SC_ROWS * _COLS
_NW = 32
_E = _NSC // _NW
_EW = _E // 4
_GRP = _E // 64

_BR = 512
_TC_BLK0 = _SC_ROWS // _BR
_TC_GRID = (_ROWS - _SC_ROWS) // _BR

_mesh = plsc.VectorSubcoreMesh(core_axis_name="c", subcore_axis_name="s")


@functools.partial(
    pl.kernel,
    mesh=_mesh,
    compiler_params=pltpu.CompilerParams(needs_layout_passes=False),
    out_type=[
        jax.ShapeDtypeStruct((_NW, 16), jnp.float32),
        jax.ShapeDtypeStruct((_NW, 16), jnp.float32),
    ],
    scratch_types=[
        pltpu.VMEM((_E,), jnp.float32),
        pltpu.VMEM((_E,), jnp.float32),
        pltpu.VMEM((_EW,), jnp.int32),
        pltpu.VMEM((16,), jnp.float32),
        pltpu.VMEM((16,), jnp.float32),
        pltpu.SemaphoreType.DMA,
    ],
)
def _sc_partials(p_hbm, t_hbm, m_hbm, out_sq, out_cnt,
                 p_v, t_v, m_v, sq_v, cnt_v, sem):
    cid = lax.axis_index("c")
    sid = lax.axis_index("s")
    wid = sid * 2 + cid
    base = wid * _E
    basew = wid * _EW

    cp_p = pltpu.make_async_copy(p_hbm.at[pl.ds(base, _E)], p_v, sem)
    cp_t = pltpu.make_async_copy(t_hbm.at[pl.ds(base, _E)], t_v, sem)
    cp_m = pltpu.make_async_copy(m_hbm.at[pl.ds(basew, _EW)], m_v, sem)
    cp_p.start()
    cp_t.start()
    cp_m.start()
    cp_p.wait()
    cp_t.wait()
    cp_m.wait()

    iota = lax.iota(jnp.int32, 16)
    l4 = lax.shift_right_logical(iota, 2)
    sh = (iota & 3) * 8
    zero_f = jnp.zeros((16,), jnp.float32)

    def grp_body(g, gcarry):
        new = []
        wbase = g * 16
        ebase = g * 64
        for v in range(4):
            mw = plsc.load_gather(m_v, [l4 + (wbase + 4 * v)])
            mf = (lax.shift_right_logical(mw, sh) & 1).astype(jnp.float32)
            pv = p_v[pl.ds(ebase + 16 * v, 16)]
            tv = t_v[pl.ds(ebase + 16 * v, 16)]
            d = pv - tv
            new.append(gcarry[v] + mf * (d * d))
            new.append(gcarry[4 + v] + mf)
        return (new[0], new[2], new[4], new[6],
                new[1], new[3], new[5], new[7])

    accs = lax.fori_loop(0, _GRP, grp_body, (zero_f,) * 8)
    sq_v[...] = (accs[0] + accs[1]) + (accs[2] + accs[3])
    cnt_v[...] = (accs[4] + accs[5]) + (accs[6] + accs[7])
    pltpu.sync_copy(sq_v, out_sq.at[wid])
    pltpu.sync_copy(cnt_v, out_cnt.at[wid])


def _tc_body(p_ref, t_ref, m_ref, o_ref, acc_ref):
    i = pl.program_id(0)

    @pl.when(i == 0)
    def _init():
        acc_ref[0] = 0.0
        acc_ref[1] = 0.0

    m = m_ref[...].astype(jnp.float32)
    d = p_ref[...] - t_ref[...]
    acc_ref[0] += jnp.sum(d * d * m)
    acc_ref[1] += jnp.sum(m)

    @pl.when(i == pl.num_programs(0) - 1)
    def _fin():
        o_ref[0] = acc_ref[0]
        o_ref[1] = acc_ref[1]


def _fin_body(tc_ref, sq_ref, cnt_ref, o_ref):
    total = tc_ref[0] + jnp.sum(sq_ref[...])
    count = tc_ref[1] + jnp.sum(cnt_ref[...])
    o_ref[0] = jnp.sqrt(total / count)


def kernel(y_pred, y_true, mask):
    p2 = y_pred.reshape(_ROWS, _COLS)
    t2 = y_true.reshape(_ROWS, _COLS)
    m8 = mask.view(jnp.int8).reshape(_ROWS, _COLS)

    pf = y_pred.reshape(_N)
    tf = y_true.reshape(_N)
    m32_sc = jax.lax.bitcast_convert_type(
        mask.view(jnp.int8).reshape(_N)[: _NSC].reshape(_NSC // 4, 4),
        jnp.int32,
    )

    sc_sq, sc_cnt = _sc_partials(pf, tf, m32_sc)

    tc_part = pl.pallas_call(
        _tc_body,
        grid=(_TC_GRID,),
        in_specs=[
            pl.BlockSpec((_BR, _COLS), lambda i: (i + _TC_BLK0, 0)),
            pl.BlockSpec((_BR, _COLS), lambda i: (i + _TC_BLK0, 0)),
            pl.BlockSpec((_BR, _COLS), lambda i: (i + _TC_BLK0, 0)),
        ],
        out_specs=pl.BlockSpec(memory_space=pltpu.SMEM),
        out_shape=jax.ShapeDtypeStruct((2,), jnp.float32),
        scratch_shapes=[pltpu.SMEM((2,), jnp.float32)],
        compiler_params=pltpu.CompilerParams(
            dimension_semantics=("arbitrary",),
        ),
    )(p2, t2, m8)

    out = pl.pallas_call(
        _fin_body,
        in_specs=[
            pl.BlockSpec(memory_space=pltpu.SMEM),
            pl.BlockSpec(),
            pl.BlockSpec(),
        ],
        out_specs=pl.BlockSpec(memory_space=pltpu.SMEM),
        out_shape=jax.ShapeDtypeStruct((1,), jnp.float32),
    )(tc_part, sc_sq, sc_cnt)
    return out[0]

# --- scband reference (transcript-rebuilt; emitter-appended) ---
"""Pipeline reference for scband-masked-mseloss-67516885893176 (READ-ONLY COPY).

The authoritative reference and input builder live on the scoring server;
editing this copy changes nothing except your own understanding.
"""

import jax, jax.numpy as jnp
import numpy as np


def setup_inputs(seed: int = 0) -> dict:
    key = jax.random.key(seed)
    k1, k2, k3 = jax.random.split(key, 3)
    y_pred = jax.random.normal(k1, (2, 8192, 2048), dtype=jnp.float32)
    y_true = jax.random.normal(k2, (2, 8192, 2048), dtype=jnp.float32)
    mask = jax.random.randint(k3, (2, 8192, 2048), 0, 2).astype(jnp.bool_)
    return {"y_pred": y_pred, "y_true": y_true, "mask": mask}


def reference(y_pred, y_true, mask):
    # torch.masked_select + mse_loss(reduction='none').mean() is equivalent to
    # sum of squared errors over selected elements divided by number selected.
    m = mask.astype(jnp.float32)
    diff = (y_pred.astype(jnp.float32) - y_true.astype(jnp.float32))
    sq = diff * diff
    total = jnp.sum(sq * m)
    count = jnp.sum(m)
    mean_loss = total / count
    return jnp.sqrt(mean_loss)

if __name__ == "__main__":
    import jax
    _d = setup_inputs()
    print(jax.jit(kernel)(*tuple(_d.values())))

</pallas_src>

<mosaic_0001>
#map = affine_map<(d0, d1) -> (0)>
#map1 = affine_map<(d0, d1) -> (0, 0)>
module attributes {stable_mosaic.version = 14 : i64} {
  func.func @_sc_partials(%arg0: i32, %arg1: i32, %arg2: memref<33554432xf32, #tpu.memory_space<hbm>>, %arg3: memref<33554432xf32, #tpu.memory_space<hbm>>, %arg4: memref<262144xi32, #tpu.memory_space<hbm>>, %arg5: memref<32x16xf32, #tpu.memory_space<hbm>>, %arg6: memref<32x16xf32, #tpu.memory_space<hbm>>, %arg7: memref<32768xf32, #tpu.memory_space<vmem>>, %arg8: memref<32768xf32, #tpu.memory_space<vmem>>, %arg9: memref<8192xi32, #tpu.memory_space<vmem>>, %arg10: memref<16xf32, #tpu.memory_space<vmem>>, %arg11: memref<16xf32, #tpu.memory_space<vmem>>, %arg12: memref<!tpu.dma_semaphore, #tpu.memory_space<semaphore_mem>>) attributes {dimension_semantics = [#tpu.dimension_semantics<core_parallel>, #tpu.dimension_semantics<subcore_parallel>], iteration_bounds = array<i64: 2, 16>, scalar_prefetch = 0 : i64, scratch_operands = 6 : i64, tpu.core_type = #tpu.core_type<sc_vector_subcore>, window_params = [{transform_indices = #map}, {transform_indices = #map}, {transform_indices = #map}, {transform_indices = #map1}, {transform_indices = #map1}]} {
    %mul3A = arith.constant 2 : i32
    %mul3A_0 = arith.muli %arg1, %mul3A : i32
    %add3A = arith.addi %mul3A_0, %arg0 : i32
    %mul3A_1 = arith.constant 32768 : i32
    %mul3A_2 = arith.muli %add3A, %mul3A_1 : i32
    %mul3A_3 = arith.constant 8192 : i32
    %mul3A_4 = arith.muli %add3A, %mul3A_3 : i32
    %dma_start3A = tpu.memref_slice %arg2[%mul3A_2] : memref<33554432xf32, #tpu.memory_space<hbm>> -> memref<32768xf32, #tpu.memory_space<hbm>>
    %dma_start3A_5 = tpu.memref_slice %arg2[%mul3A_2] : memref<33554432xf32, #tpu.memory_space<hbm>> -> memref<32768xf32, #tpu.memory_space<hbm>>
    tpu.enqueue_dma source(%dma_start3A_5 : memref<32768xf32, #tpu.memory_space<hbm>>) target(%arg7 : memref<32768xf32, #tpu.memory_space<vmem>>) target_semaphore(%arg12 : memref<!tpu.dma_semaphore, #tpu.memory_space<semaphore_mem>>)
    %dma_start3A_6 = tpu.memref_slice %arg3[%mul3A_2] : memref<33554432xf32, #tpu.memory_space<hbm>> -> memref<32768xf32, #tpu.memory_space<hbm>>
    %dma_start3A_7 = tpu.memref_slice %arg3[%mul3A_2] : memref<33554432xf32, #tpu.memory_space<hbm>> -> memref<32768xf32, #tpu.memory_space<hbm>>
    tpu.enqueue_dma source(%dma_start3A_7 : memref<32768xf32, #tpu.memory_space<hbm>>) target(%arg8 : memref<32768xf32, #tpu.memory_space<vmem>>) target_semaphore(%arg12 : memref<!tpu.dma_semaphore, #tpu.memory_space<semaphore_mem>>)
    %dma_start3A_8 = tpu.memref_slice %arg4[%mul3A_4] : memref<262144xi32, #tpu.memory_space<hbm>> -> memref<8192xi32, #tpu.memory_space<hbm>>
    %dma_start3A_9 = tpu.memref_slice %arg4[%mul3A_4] : memref<262144xi32, #tpu.memory_space<hbm>> -> memref<8192xi32, #tpu.memory_space<hbm>>
    tpu.enqueue_dma source(%dma_start3A_9 : memref<8192xi32, #tpu.memory_space<hbm>>) target(%arg9 : memref<8192xi32, #tpu.memory_space<vmem>>) target_semaphore(%arg12 : memref<!tpu.dma_semaphore, #tpu.memory_space<semaphore_mem>>)
    %dma_wait3A = tpu.memref_slice %arg2[%mul3A_2] : memref<33554432xf32, #tpu.memory_space<hbm>> -> memref<32768xf32, #tpu.memory_space<hbm>>
    %dma_wait3A_10 = tpu.memref_slice %arg2[%mul3A_2] : memref<33554432xf32, #tpu.memory_space<hbm>> -> memref<32768xf32, #tpu.memory_space<hbm>>
    tpu.wait_dma2 semaphore(%arg12 : memref<!tpu.dma_semaphore, #tpu.memory_space<semaphore_mem>>) src(%dma_wait3A_10 : memref<32768xf32, #tpu.memory_space<hbm>>) dst(%arg7 : memref<32768xf32, #tpu.memory_space<vmem>>)
    %dma_wait3A_11 = tpu.memref_slice %arg3[%mul3A_2] : memref<33554432xf32, #tpu.memory_space<hbm>> -> memref<32768xf32, #tpu.memory_space<hbm>>
    %dma_wait3A_12 = tpu.memref_slice %arg3[%mul3A_2] : memref<33554432xf32, #tpu.memory_space<hbm>> -> memref<32768xf32, #tpu.memory_space<hbm>>
    tpu.wait_dma2 semaphore(%arg12 : memref<!tpu.dma_semaphore, #tpu.memory_space<semaphore_mem>>) src(%dma_wait3A_12 : memref<32768xf32, #tpu.memory_space<hbm>>) dst(%arg8 : memref<32768xf32, #tpu.memory_space<vmem>>)
    %dma_wait3A_13 = tpu.memref_slice %arg4[%mul3A_4] : memref<262144xi32, #tpu.memory_space<hbm>> -> memref<8192xi32, #tpu.memory_space<hbm>>
    %dma_wait3A_14 = tpu.memref_slice %arg4[%mul3A_4] : memref<262144xi32, #tpu.memory_space<hbm>> -> memref<8192xi32, #tpu.memory_space<hbm>>
    tpu.wait_dma2 semaphore(%arg12 : memref<!tpu.dma_semaphore, #tpu.memory_space<semaphore_mem>>) src(%dma_wait3A_14 : memref<8192xi32, #tpu.memory_space<hbm>>) dst(%arg9 : memref<8192xi32, #tpu.memory_space<vmem>>)
    %iota3A = tpu.iota {dimensions = array<i32: 0>} : vector<16xi32>
    %shift_right_logical3A = arith.constant 2 : i32
    %shift_right_logical3A_15 = vector.broadcast %shift_right_logical3A : i32 to vector<16xi32>
    %shift_right_logical3A_16 = arith.shrui %iota3A, %shift_right_logical3A_15 : vector<16xi32>
    %and3A = arith.constant 3 : i32
    %and3A_17 = vector.broadcast %and3A : i32 to vector<16xi32>
    %and3A_18 = arith.andi %iota3A, %and3A_17 : vector<16xi32>
    %mul3A_19 = arith.constant 8 : i32
    %mul3A_20 = vector.broadcast %mul3A_19 : i32 to vector<16xi32>
    %mul3A_21 = arith.muli %and3A_18, %mul3A_20 : vector<16xi32>
    %broadcast_in_dim3A = arith.constant 0.000000e+00 : f32
    %broadcast_in_dim3A_22 = vector.broadcast %broadcast_in_dim3A : f32 to vector<16xf32>
    %scan3A = arith.constant 0 : i32
    %scan3A_23 = arith.constant 512 : i32
    %scan3A_24 = arith.addi %scan3A, %scan3A_23 : i32
    %scan3A_25 = arith.constant 1 : i32
    %scan3A_26:8 = scf.for %scan3A_37 = %scan3A to %scan3A_24 step %scan3A_25 iter_args(%scan3A_38 = %broadcast_in_dim3A_22, %scan3A_39 = %broadcast_in_dim3A_22, %scan3A_40 = %broadcast_in_dim3A_22, %scan3A_41 = %broadcast_in_dim3A_22, %scan3A_42 = %broadcast_in_dim3A_22, %scan3A_43 = %broadcast_in_dim3A_22, %scan3A_44 = %broadcast_in_dim3A_22, %scan3A_45 = %broadcast_in_dim3A_22) -> (vector<16xf32>, vector<16xf32>, vector<16xf32>, vector<16xf32>, vector<16xf32>, vector<16xf32>, vector<16xf32>, vector<16xf32>)  : i32 {
      %mul3A_46 = arith.constant 16 : i32
      %mul3A_47 = arith.muli %scan3A_37, %mul3A_46 : i32
      %mul3A_48 = arith.constant 64 : i32
      %mul3A_49 = arith.muli %scan3A_37, %mul3A_48 : i32
      %add3A_50 = arith.constant 0 : i32
      %add3A_51 = arith.addi %mul3A_47, %add3A_50 : i32
      %add3A_52 = vector.broadcast %add3A_51 : i32 to vector<16xi32>
      %add3A_53 = arith.addi %shift_right_logical3A_16, %add3A_52 : vector<16xi32>
      %gather3A = tpu.vector_load_idx %arg9[%add3A_53] : memref<8192xi32, #tpu.memory_space<vmem>>[vector<16xi32>], vector<16xi32>,
      %shift_right_logical3A_54 = arith.shrui %gather3A, %mul3A_21 : vector<16xi32>
      %and3A_55 = arith.constant 1 : i32
      %and3A_56 = vector.broadcast %and3A_55 : i32 to vector<16xi32>
      %and3A_57 = arith.andi %shift_right_logical3A_54, %and3A_56 : vector<16xi32>
      %convert_element_type3A = arith.sitofp %and3A_57 : vector<16xi32> to vector<16xf32>
      %add3A_58 = arith.constant 0 : i32
      %add3A_59 = arith.addi %mul3A_49, %add3A_58 : i32
      %get3A = arith.index_cast %add3A_59 : i32 to index
      %get3A_60 = tpu.vector_load %arg7[%get3A] {strides = array<i32>} : memref<32768xf32, #tpu.memory_space<vmem>>, vector<16xf32>,
      %add3A_61 = arith.constant 0 : i32
      %add3A_62 = arith.addi %mul3A_49, %add3A_61 : i32
      %get3A_63 = arith.index_cast %add3A_62 : i32 to index
      %get3A_64 = tpu.vector_load %arg8[%get3A_63] {strides = array<i32>} : memref<32768xf32, #tpu.memory_space<vmem>>, vector<16xf32>,
      %sub3A = arith.subf %get3A_60, %get3A_64 : vector<16xf32>
      %mul3A_65 = arith.mulf %sub3A, %sub3A : vector<16xf32>
      %mul3A_66 = arith.mulf %convert_element_type3A, %mul3A_65 : vector<16xf32>
      %add3A_67 = arith.addf %scan3A_38, %mul3A_66 : vector<16xf32>
      %add3A_68 = arith.addf %scan3A_42, %convert_element_type3A : vector<16xf32>
      %add3A_69 = arith.constant 4 : i32
      %add3A_70 = arith.addi %mul3A_47, %add3A_69 : i32
      %add3A_71 = vector.broadcast %add3A_70 : i32 to vector<16xi32>
      %add3A_72 = arith.addi %shift_right_logical3A_16, %add3A_71 : vector<16xi32>
      %gather3A_73 = tpu.vector_load_idx %arg9[%add3A_72] : memref<8192xi32, #tpu.memory_space<vmem>>[vector<16xi32>], vector<16xi32>,
      %shift_right_logical3A_74 = arith.shrui %gather3A_73, %mul3A_21 : vector<16xi32>
      %and3A_75 = arith.constant 1 : i32
      %and3A_76 = vector.broadcast %and3A_75 : i32 to vector<16xi32>
      %and3A_77 = arith.andi %shift_right_logical3A_74, %and3A_76 : vector<16xi32>
      %convert_element_type3A_78 = arith.sitofp %and3A_77 : vector<16xi32> to vector<16xf32>
      %add3A_79 = arith.constant 16 : i32
      %add3A_80 = arith.addi %mul3A_49, %add3A_79 : i32
      %get3A_81 = arith.index_cast %add3A_80 : i32 to index
      %get3A_82 = tpu.vector_load %arg7[%get3A_81] {strides = array<i32>} : memref<32768xf32, #tpu.memory_space<vmem>>, vector<16xf32>,
      %add3A_83 = arith.constant 16 : i32
      %add3A_84 = arith.addi %mul3A_49, %add3A_83 : i32
      %get3A_85 = arith.index_cast %add3A_84 : i32 to index
      %get3A_86 = tpu.vector_load %arg8[%get3A_85] {strides = array<i32>} : memref<32768xf32, #tpu.memory_space<vmem>>, vector<16xf32>,
      %sub3A_87 = arith.subf %get3A_82, %get3A_86 : vector<16xf32>
      %mul3A_88 = arith.mulf %sub3A_87, %sub3A_87 : vector<16xf32>
      %mul3A_89 = arith.mulf %convert_element_type3A_78, %mul3A_88 : vector<16xf32>
      %add3A_90 = arith.addf %scan3A_39, %mul3A_89 : vector<16xf32>
      %add3A_91 = arith.addf %scan3A_43, %convert_element_type3A_78 : vector<16xf32>
      %add3A_92 = arith.constant 8 : i32
      %add3A_93 = arith.addi %mul3A_47, %add3A_92 : i32
      %add3A_94 = vector.broadcast %add3A_93 : i32 to vector<16xi32>
      %add3A_95 = arith.addi %shift_right_logical3A_16, %add3A_94 : vector<16xi32>
      %gather3A_96 = tpu.vector_load_idx %arg9[%add3A_95] : memref<8192xi32, #tpu.memory_space<vmem>>[vector<16xi32>], vector<16xi32>,
      %shift_right_logical3A_97 = arith.shrui %gather3A_96, %mul3A_21 : vector<16xi32>
      %and3A_98 = arith.constant 1 : i32
      %and3A_99 = vector.broadcast %and3A_98 : i32 to vector<16xi32>
      %and3A_100 = arith.andi %shift_right_logical3A_97, %and3A_99 : vector<16xi32>
      %convert_element_type3A_101 = arith.sitofp %and3A_100 : vector<16xi32> to vector<16xf32>
      %add3A_102 = arith.constant 32 : i32
      %add3A_103 = arith.addi %mul3A_49, %add3A_102 : i32
      %get3A_104 = arith.index_cast %add3A_103 : i32 to index
      %get3A_105 = tpu.vector_load %arg7[%get3A_104] {strides = array<i32>} : memref<32768xf32, #tpu.memory_space<vmem>>, vector<16xf32>,
      %add3A_106 = arith.constant 32 : i32
      %add3A_107 = arith.addi %mul3A_49, %add3A_106 : i32
      %get3A_108 = arith.index_cast %add3A_107 : i32 to index
      %get3A_109 = tpu.vector_load %arg8[%get3A_108] {strides = array<i32>} : memref<32768xf32, #tpu.memory_space<vmem>>, vector<16xf32>,
      %sub3A_110 = arith.subf %get3A_105, %get3A_109 : vector<16xf32>
      %mul3A_111 = arith.mulf %sub3A_110, %sub3A_110 : vector<16xf32>
      %mul3A_112 = arith.mulf %convert_element_type3A_101, %mul3A_111 : vector<16xf32>
      %add3A_113 = arith.addf %scan3A_40, %mul3A_112 : vector<16xf32>
      %add3A_114 = arith.addf %scan3A_44, %convert_element_type3A_101 : vector<16xf32>
      %add3A_115 = arith.constant 12 : i32
      %add3A_116 = arith.addi %mul3A_47, %add3A_115 : i32
      %add3A_117 = vector.broadcast %add3A_116 : i32 to vector<16xi32>
      %add3A_118 = arith.addi %shift_right_logical3A_16, %add3A_117 : vector<16xi32>
      %gather3A_119 = tpu.vector_load_idx %arg9[%add3A_118] : memref<8192xi32, #tpu.memory_space<vmem>>[vector<16xi32>], vector<16xi32>,
      %shift_right_logical3A_120 = arith.shrui %gather3A_119, %mul3A_21 : vector<16xi32>
      %and3A_121 = arith.constant 1 : i32
      %and3A_122 = vector.broadcast %and3A_121 : i32 to vector<16xi32>
      %and3A_123 = arith.andi %shift_right_logical3A_120, %and3A_122 : vector<16xi32>
      %convert_element_type3A_124 = arith.sitofp %and3A_123 : vector<16xi32> to vector<16xf32>
      %add3A_125 = arith.constant 48 : i32
      %add3A_126 = arith.addi %mul3A_49, %add3A_125 : i32
      %get3A_127 = arith.index_cast %add3A_126 : i32 to index
      %get3A_128 = tpu.vector_load %arg7[%get3A_127] {strides = array<i32>} : memref<32768xf32, #tpu.memory_space<vmem>>, vector<16xf32>,
      %add3A_129 = arith.constant 48 : i32
      %add3A_130 = arith.addi %mul3A_49, %add3A_129 : i32
      %get3A_131 = arith.index_cast %add3A_130 : i32 to index
      %get3A_132 = tpu.vector_load %arg8[%get3A_131] {strides = array<i32>} : memref<32768xf32, #tpu.memory_space<vmem>>, vector<16xf32>,
      %sub3A_133 = arith.subf %get3A_128, %get3A_132 : vector<16xf32>
      %mul3A_134 = arith.mulf %sub3A_133, %sub3A_133 : vector<16xf32>
      %mul3A_135 = arith.mulf %convert_element_type3A_124, %mul3A_134 : vector<16xf32>
      %add3A_136 = arith.addf %scan3A_41, %mul3A_135 : vector<16xf32>
      %add3A_137 = arith.addf %scan3A_45, %convert_element_type3A_124 : vector<16xf32>
      scf.yield %add3A_67, %add3A_90, %add3A_113, %add3A_136, %add3A_68, %add3A_91, %add3A_114, %add3A_137 : vector<16xf32>, vector<16xf32>, vector<16xf32>, vector<16xf32>, vector<16xf32>, vector<16xf32>, vector<16xf32>, vector<16xf32>
    }
    %scan3A_27 = arith.constant 512 : i32
    %add3A_28 = arith.addf %scan3A_26#0, %scan3A_26#1 : vector<16xf32>
    %add3A_29 = arith.addf %scan3A_26#2, %scan3A_26#3 : vector<16xf32>
    %add3A_30 = arith.addf %add3A_28, %add3A_29 : vector<16xf32>
    %swap3A = arith.constant 0 : index
    %swap3A_31 = tpu.vector_load %arg10[%swap3A] {strides = array<i32>} : memref<16xf32, #tpu.memory_space<vmem>>, vector<16xf32>,
    tpu.vector_store %arg10[%swap3A], %add3A_30 {strides = array<i32>} : memref<16xf32, #tpu.memory_space<vmem>>, vector<16xf32>,
    %add3A_32 = arith.addf %scan3A_26#4, %scan3A_26#5 : vector<16xf32>
    %add3A_33 = arith.addf %scan3A_26#6, %scan3A_26#7 : vector<16xf32>
    %add3A_34 = arith.addf %add3A_32, %add3A_33 : vector<16xf32>
    %swap3A_35 = arith.constant 0 : index
    %swap3A_36 = tpu.vector_load %arg11[%swap3A_35] {strides = array<i32>} : memref<16xf32, #tpu.memory_space<vmem>>, vector<16xf32>,
    tpu.vector_store %arg11[%swap3A_35], %add3A_34 {strides = array<i32>} : memref<16xf32, #tpu.memory_space<vmem>>, vector<16xf32>,
    "tpu.region"() ({
      %run_scoped3A = tpu.sem_alloc : memref<!tpu.dma_semaphore, #tpu.memory_space<semaphore_mem>>
      %dma_start3A_37 = arith.constant 0 : i32
      %dma_start3A_38 = tpu.memref_slice %arg5[%add3A, %dma_start3A_37] : memref<32x16xf32, #tpu.memory_space<hbm>> -> memref<1x16xf32, #tpu.memory_space<hbm>>
      %dma_start3A_39 = tpu.memref_squeeze %dma_start3A_38 : memref<1x16xf32, #tpu.memory_space<hbm>> -> memref<16xf32, #tpu.memory_space<hbm>>
      %dma_start3A_40 = arith.constant 0 : i32
      %dma_start3A_41 = tpu.memref_slice %arg5[%add3A, %dma_start3A_40] : memref<32x16xf32, #tpu.memory_space<hbm>> -> memref<1x16xf32, #tpu.memory_space<hbm>>
      %dma_start3A_42 = tpu.memref_squeeze %dma_start3A_41 : memref<1x16xf32, #tpu.memory_space<hbm>> -> memref<16xf32, #tpu.memory_space<hbm>>
      tpu.enqueue_dma source(%arg10 : memref<16xf32, #tpu.memory_space<vmem>>) target(%dma_start3A_42 : memref<16xf32, #tpu.memory_space<hbm>>) target_semaphore(%run_scoped3A : memref<!tpu.dma_semaphore, #tpu.memory_space<semaphore_mem>>)
      %dma_wait3A_43 = arith.constant 0 : i32
      %dma_wait3A_44 = tpu.memref_slice %arg5[%add3A, %dma_wait3A_43] : memref<32x16xf32, #tpu.memory_space<hbm>> -> memref<1x16xf32, #tpu.memory_space<hbm>>
      %dma_wait3A_45 = tpu.memref_squeeze %dma_wait3A_44 : memref<1x16xf32, #tpu.memory_space<hbm>> -> memref<16xf32, #tpu.memory_space<hbm>>
      %dma_wait3A_46 = arith.constant 0 : i32
      %dma_wait3A_47 = tpu.memref_slice %arg5[%add3A, %dma_wait3A_46] : memref<32x16xf32, #tpu.memory_space<hbm>> -> memref<1x16xf32, #tpu.memory_space<hbm>>
      %dma_wait3A_48 = tpu.memref_squeeze %dma_wait3A_47 : memref<1x16xf32, #tpu.memory_space<hbm>> -> memref<16xf32, #tpu.memory_space<hbm>>
      tpu.wait_dma2 semaphore(%run_scoped3A : memref<!tpu.dma_semaphore, #tpu.memory_space<semaphore_mem>>) src(%arg10 : memref<16xf32, #tpu.memory_space<vmem>>) dst(%dma_wait3A_48 : memref<16xf32, #tpu.memory_space<hbm>>)
      tpu.yield
    }) : () -> ()
    "tpu.region"() ({
      %run_scoped3A = tpu.sem_alloc : memref<!tpu.dma_semaphore, #tpu.memory_space<semaphore_mem>>
      %dma_start3A_37 = arith.constant 0 : i32
      %dma_start3A_38 = tpu.memref_slice %arg6[%add3A, %dma_start3A_37] : memref<32x16xf32, #tpu.memory_space<hbm>> -> memref<1x16xf32, #tpu.memory_space<hbm>>
      %dma_start3A_39 = tpu.memref_squeeze %dma_start3A_38 : memref<1x16xf32, #tpu.memory_space<hbm>> -> memref<16xf32, #tpu.memory_space<hbm>>
      %dma_start3A_40 = arith.constant 0 : i32
      %dma_start3A_41 = tpu.memref_slice %arg6[%add3A, %dma_start3A_40] : memref<32x16xf32, #tpu.memory_space<hbm>> -> memref<1x16xf32, #tpu.memory_space<hbm>>
      %dma_start3A_42 = tpu.memref_squeeze %dma_start3A_41 : memref<1x16xf32, #tpu.memory_space<hbm>> -> memref<16xf32, #tpu.memory_space<hbm>>
      tpu.enqueue_dma source(%arg11 : memref<16xf32, #tpu.memory_space<vmem>>) target(%dma_start3A_42 : memref<16xf32, #tpu.memory_space<hbm>>) target_semaphore(%run_scoped3A : memref<!tpu.dma_semaphore, #tpu.memory_space<semaphore_mem>>)
      %dma_wait3A_43 = arith.constant 0 : i32
      %dma_wait3A_44 = tpu.memref_slice %arg6[%add3A, %dma_wait3A_43] : memref<32x16xf32, #tpu.memory_space<hbm>> -> memref<1x16xf32, #tpu.memory_space<hbm>>
      %dma_wait3A_45 = tpu.memref_squeeze %dma_wait3A_44 : memref<1x16xf32, #tpu.memory_space<hbm>> -> memref<16xf32, #tpu.memory_space<hbm>>
      %dma_wait3A_46 = arith.constant 0 : i32
      %dma_wait3A_47 = tpu.memref_slice %arg6[%add3A, %dma_wait3A_46] : memref<32x16xf32, #tpu.memory_space<hbm>> -> memref<1x16xf32, #tpu.memory_space<hbm>>
      %dma_wait3A_48 = tpu.memref_squeeze %dma_wait3A_47 : memref<1x16xf32, #tpu.memory_space<hbm>> -> memref<16xf32, #tpu.memory_space<hbm>>
      tpu.wait_dma2 semaphore(%run_scoped3A : memref<!tpu.dma_semaphore, #tpu.memory_space<semaphore_mem>>) src(%arg11 : memref<16xf32, #tpu.memory_space<vmem>>) dst(%dma_wait3A_48 : memref<16xf32, #tpu.memory_space<hbm>>)
      tpu.yield
    }) : () -> ()
    return
  }
}

module attributes {stable_mosaic.version = 14 : i64} {
  func.func @_fin_body(%arg0: memref<2xf32, #tpu.memory_space<smem>>, %arg1: memref<32x16xf32, #tpu.memory_space<vmem>>, %arg2: memref<32x16xf32, #tpu.memory_space<vmem>>, %arg3: memref<1xf32, #tpu.memory_space<smem>>) attributes {dimension_semantics = [], scalar_prefetch = 0 : i64, scratch_operands = 0 : i64, tpu.core_type = #tpu.core_type<tc>} {
    %get3A = arith.constant 0 : index
    %get3A_0 = memref.load %arg0[%get3A] : memref<2xf32, #tpu.memory_space<smem>>
    %get3A_1 = arith.constant 0 : index
    %get3A_2 = arith.constant 0 : index
    %get3A_3 = vector.load %arg1[%get3A_1, %get3A_2] : memref<32x16xf32, #tpu.memory_space<vmem>>, vector<32x16xf32>
    %reduce_sum3A = vector.shape_cast %get3A_3 : vector<32x16xf32> to vector<1x32x16xf32>
    %reduce_sum3A_4 = arith.constant dense<0.000000e+00> : vector<1xf32>
    %reduce_sum3A_5 = vector.multi_reduction <add>, %reduce_sum3A, %reduce_sum3A_4 [1, 2] : vector<1x32x16xf32> to vector<1xf32>
    %reduce_sum3A_6 = vector.shape_cast %reduce_sum3A_5 : vector<1xf32> to vector<1x1x1xf32>
    %reduce_sum3A_7 = vector.extract %reduce_sum3A_6[0, 0, 0] : f32 from vector<1x1x1xf32>
    %add3A = arith.addf %get3A_0, %reduce_sum3A_7 : f32
    %get3A_8 = arith.constant 1 : index
    %get3A_9 = memref.load %arg0[%get3A_8] : memref<2xf32, #tpu.memory_space<smem>>
    %get3A_10 = arith.constant 0 : index
    %get3A_11 = arith.constant 0 : index
    %get3A_12 = vector.load %arg2[%get3A_10, %get3A_11] : memref<32x16xf32, #tpu.memory_space<vmem>>, vector<32x16xf32>
    %reduce_sum3A_13 = vector.shape_cast %get3A_12 : vector<32x16xf32> to vector<1x32x16xf32>
    %reduce_sum3A_14 = arith.constant dense<0.000000e+00> : vector<1xf32>
    %reduce_sum3A_15 = vector.multi_reduction <add>, %reduce_sum3A_13, %reduce_sum3A_14 [1, 2] : vector<1x32x16xf32> to vector<1xf32>
    %reduce_sum3A_16 = vector.shape_cast %reduce_sum3A_15 : vector<1xf32> to vector<1x1x1xf32>
    %reduce_sum3A_17 = vector.extract %reduce_sum3A_16[0, 0, 0] : f32 from vector<1x1x1xf32>
    %add3A_18 = arith.addf %get3A_9, %reduce_sum3A_17 : f32
    %div3A = arith.divf %add3A, %add3A_18 : f32
    %sqrt3A = math.sqrt %div3A : f32
    %swap3A = arith.constant 0 : index
    %swap3A_19 = memref.load %arg3[%swap3A] : memref<1xf32, #tpu.memory_space<smem>>
    memref.store %sqrt3A, %arg3[%swap3A] : memref<1xf32, #tpu.memory_space<smem>>
    return
  }
}

module attributes {stable_mosaic.version = 14 : i64} {
  func.func @_tc_body(%arg0: i32, %arg1: memref<512x2048xf32, #tpu.memory_space<vmem>>, %arg2: memref<512x2048xf32, #tpu.memory_space<vmem>>, %arg3: memref<512x2048xi8, #tpu.memory_space<vmem>>, %arg4: memref<2xf32, #tpu.memory_space<smem>>, %arg5: memref<2xf32, #tpu.memory_space<smem>>) attributes {dimension_semantics = [#tpu.dimension_semantics<arbitrary>], iteration_bounds = array<i64: 31>, scalar_prefetch = 0 : i64, scratch_operands = 1 : i64, tpu.core_type = #tpu.core_type<tc>, window_params = [{transform_indices = @transform_0, window_bounds = array<i64: 512, 2048>}, {transform_indices = @transform_1, window_bounds = array<i64: 512, 2048>}, {transform_indices = @transform_2, window_bounds = array<i64: 512, 2048>}, {transform_indices = @transform_3, window_bounds = array<i64: 2>}]} {
    %eq3A = arith.constant 0 : i32
    %eq3A_0 = arith.cmpi eq, %arg0, %eq3A : i32
    %convert_element_type3A = arith.extui %eq3A_0 : i1 to i32
    %cond3A = arith.constant 0 : i32
    %cond3A_1 = arith.cmpi ne, %convert_element_type3A, %cond3A : i32
    scf.if %cond3A_1 {
      %swap3A_34 = arith.constant 0.000000e+00 : f32
      %swap3A_35 = arith.constant 0 : index
      %swap3A_36 = memref.load %arg5[%swap3A_35] : memref<2xf32, #tpu.memory_space<smem>>
      memref.store %swap3A_34, %arg5[%swap3A_35] : memref<2xf32, #tpu.memory_space<smem>>
      %swap3A_37 = arith.constant 0.000000e+00 : f32
      %swap3A_38 = arith.constant 1 : index
      %swap3A_39 = memref.load %arg5[%swap3A_38] : memref<2xf32, #tpu.memory_space<smem>>
      memref.store %swap3A_37, %arg5[%swap3A_38] : memref<2xf32, #tpu.memory_space<smem>>
    } else {
    }
    %get3A = arith.constant 0 : index
    %get3A_2 = arith.constant 0 : index
    %get3A_3 = vector.load %arg3[%get3A, %get3A_2] : memref<512x2048xi8, #tpu.memory_space<vmem>>, vector<512x2048xi8>
    %convert_element_type3A_4 = arith.sitofp %get3A_3 : vector<512x2048xi8> to vector<512x2048xf32>
    %get3A_5 = arith.constant 0 : index
    %get3A_6 = arith.constant 0 : index
    %get3A_7 = vector.load %arg1[%get3A_5, %get3A_6] : memref<512x2048xf32, #tpu.memory_space<vmem>>, vector<512x2048xf32>
    %get3A_8 = arith.constant 0 : index
    %get3A_9 = arith.constant 0 : index
    %get3A_10 = vector.load %arg2[%get3A_8, %get3A_9] : memref<512x2048xf32, #tpu.memory_space<vmem>>, vector<512x2048xf32>
    %sub3A = arith.subf %get3A_7, %get3A_10 : vector<512x2048xf32>
    %get3A_11 = arith.constant 0 : index
    %get3A_12 = memref.load %arg5[%get3A_11] : memref<2xf32, #tpu.memory_space<smem>>
    %mul3A = arith.mulf %sub3A, %sub3A : vector<512x2048xf32>
    %mul3A_13 = arith.mulf %mul3A, %convert_element_type3A_4 : vector<512x2048xf32>
    %reduce_sum3A = vector.shape_cast %mul3A_13 : vector<512x2048xf32> to vector<1x512x2048xf32>
    %reduce_sum3A_14 = arith.constant dense<0.000000e+00> : vector<1xf32>
    %reduce_sum3A_15 = vector.multi_reduction <add>, %reduce_sum3A, %reduce_sum3A_14 [1, 2] : vector<1x512x2048xf32> to vector<1xf32>
    %reduce_sum3A_16 = vector.shape_cast %reduce_sum3A_15 : vector<1xf32> to vector<1x1x1xf32>
    %reduce_sum3A_17 = vector.extract %reduce_sum3A_16[0, 0, 0] : f32 from vector<1x1x1xf32>
    %add3A = arith.addf %get3A_12, %reduce_sum3A_17 : f32
    %swap3A = arith.constant 0 : index
    %swap3A_18 = memref.load %arg5[%swap3A] : memref<2xf32, #tpu.memory_space<smem>>
    memref.store %add3A, %arg5[%swap3A] : memref<2xf32, #tpu.memory_space<smem>>
    %get3A_19 = arith.constant 1 : index
    %get3A_20 = memref.load %arg5[%get3A_19] : memref<2xf32, #tpu.memory_space<smem>>
    %reduce_sum3A_21 = vector.shape_cast %convert_element_type3A_4 : vector<512x2048xf32> to vector<1x512x2048xf32>
    %reduce_sum3A_22 = arith.constant dense<0.000000e+00> : vector<1xf32>
    %reduce_sum3A_23 = vector.multi_reduction <add>, %reduce_sum3A_21, %reduce_sum3A_22 [1, 2] : vector<1x512x2048xf32> to vector<1xf32>
    %reduce_sum3A_24 = vector.shape_cast %reduce_sum3A_23 : vector<1xf32> to vector<1x1x1xf32>
    %reduce_sum3A_25 = vector.extract %reduce_sum3A_24[0, 0, 0] : f32 from vector<1x1x1xf32>
    %add3A_26 = arith.addf %get3A_20, %reduce_sum3A_25 : f32
    %swap3A_27 = arith.constant 1 : index
    %swap3A_28 = memref.load %arg5[%swap3A_27] : memref<2xf32, #tpu.memory_space<smem>>
    memref.store %add3A_26, %arg5[%swap3A_27] : memref<2xf32, #tpu.memory_space<smem>>
    %eq3A_29 = arith.constant 30 : i32
    %eq3A_30 = arith.cmpi eq, %arg0, %eq3A_29 : i32
    %convert_element_type3A_31 = arith.extui %eq3A_30 : i1 to i32
    %cond3A_32 = arith.constant 0 : i32
    %cond3A_33 = arith.cmpi ne, %convert_element_type3A_31, %cond3A_32 : i32
    scf.if %cond3A_33 {
      %get3A_34 = arith.constant 0 : index
      %get3A_35 = memref.load %arg5[%get3A_34] : memref<2xf32, #tpu.memory_space<smem>>
      %swap3A_36 = arith.constant 0 : index
      %swap3A_37 = memref.load %arg4[%swap3A_36] : memref<2xf32, #tpu.memory_space<smem>>
      memref.store %get3A_35, %arg4[%swap3A_36] : memref<2xf32, #tpu.memory_space<smem>>
      %get3A_38 = arith.constant 1 : index
      %get3A_39 = memref.load %arg5[%get3A_38] : memref<2xf32, #tpu.memory_space<smem>>
      %swap3A_40 = arith.constant 1 : index
      %swap3A_41 = memref.load %arg4[%swap3A_40] : memref<2xf32, #tpu.memory_space<smem>>
      memref.store %get3A_39, %arg4[%swap3A_40] : memref<2xf32, #tpu.memory_space<smem>>
    } else {
    }
    return
  }
  func.func @transform_0(%arg0: i32) -> (i32, i32) {
    %add3A = arith.constant 1 : i32
    %add3A_0 = arith.addi %arg0, %add3A : i32
    %c0_i32 = arith.constant 0 : i32
    %c0_i32_1 = arith.constant 0 : i32
    return %add3A_0, %c0_i32 : i32, i32
  }
  func.func @transform_1(%arg0: i32) -> (i32, i32) {
    %add3A = arith.constant 1 : i32
    %add3A_0 = arith.addi %arg0, %add3A : i32
    %c0_i32 = arith.constant 0 : i32
    %c0_i32_1 = arith.constant 0 : i32
    return %add3A_0, %c0_i32 : i32, i32
  }
  func.func @transform_2(%arg0: i32) -> (i32, i32) {
    %add3A = arith.constant 1 : i32
    %add3A_0 = arith.addi %arg0, %add3A : i32
    %c0_i32 = arith.constant 0 : i32
    %c0_i32_1 = arith.constant 0 : i32
    return %add3A_0, %c0_i32 : i32, i32
  }
  func.func @transform_3(%arg0: i32) -> i32 {
    %c0_i32 = arith.constant 0 : i32
    %c0_i32_0 = arith.constant 0 : i32
    return %c0_i32 : i32
  }
}

</mosaic_0001>

<sc_bundles>
// kernel: kernel.5.cloned.1.call-start
scs
__scs_entry_jumppad:
0x0: {  	(pc) =	sbr.rel $0x88, $3  }
0x1: {  	(tag) =	ssettag $0x0;
	lr =	simm.s32 $0x1  }
0x2: {  	[smem:$0x3F9E] =	sst lr;
	_ =	strace $0xD0000000  }
0x3: {  	_ = 	snop  }
0x4: {  	_ = 	snop  }
0x5: {  	_ = 	snop  }
0x6: {  	_ = 	snop  }
0x7: {  	_ = 	snop  }
__scs_overlays_trampoline_lowered:
0x8: {  	[smem:$0x3FAD] =	sst s0  }
0x9: {  	[smem:$0x3FAE] =	sst s1  }
0xa: {  	[smem:$0x3FAF] =	sst s2  }
0xb: {  	[smem:$0x3FB0] =	sst s3  }
0xc: {  	[smem:$0x3FB1] =	sst s4  }
0xd: {  	[smem:$0x3FB2] =	sst s5  }
0xe: {  	[smem:$0x3FB3] =	sst s6  }
0xf: {  	[smem:$0x3FB4] =	sst s7  }
0x10: {  	[smem:$0x3FB5] =	sst s8  }
0x11: {  	[smem:$0x3FB6] =	sst s9;
	s0 =	simm.s32 @!p0 $0x0  }
0x12: {  	s1 =	sld [smem:$0x3F9C];
	s0 =	simm.s32 @p0 $0x1  }
0x13: {  	[smem:$0x3FB7] =	sst s0;
	s0 =	simm.s32 @!p1 $0x0  }
0x14: {  	s2 =	sld [smem:$0x3F9B];
	s0 =	simm.s32 @p1 $0x1  }
0x15: {  	[smem:$0x3FB8] =	sst s0;
	s0 =	simm.s32 @!p2 $0x0  }
0x16: {  	s3 =	sld [smem:$0x3FDB];
	s0 =	simm.s32 @p2 $0x1  }
0x17: {  	s4 =	simm.s32 $0x1BF5;
	[smem:$0x3FBA] =	sst s0  }
0x18: {  	s0 =	sld [smem:$0x3F9D];
	_ =	swait.ge [sflag:s4], $0x0  }
0x19: {  	s7 =	sld [smem:$0x3F9E]  }
0x1a: {  	s8 =	sadd.s32 $0xFFFFE003, lr  }
0x1b: {  	s9 =	sadd.s32 $0xFFFFFEF7, lr;
	s5 =	simm.s32 $0xFFFFFFFF;
	p2 =	slt.u32 s8, $0xFFFFF086  }
0x1c: {  	p1 =	slt.u32 s9, $0xF7A;
	s5 =	simm.s32 @!p2 $0x0  }
0x1d: {  	s5 =	simm.s32 @p1 $0x1;
	p0 =	seq.s32 s7, s2  }
0x1e: {  	s7 =	smul.u32 @!p0 $0xF7A, s2;
	p2 =	seq.s32 @!p0 s5, $0x0  }
0x1f: {  	s9 =	smul.u32 $0xF7A, s1;
	s8 =	simm.s32 @!p0 $0x1BF5;
	p2 =	por !p2, p0  }
0x20: {  	[sflag:s8] =	ssyncset.s32 @!p0 $0xFFFFF086;
	s6 =	sadd.s32 @!p0 s3, s7;
	s7 =	simm.s32 @!p0 $0x108  }
0x21: {  	s3 =	sadd.s32 s3, s9;
	s6 =	sadd.s32 @!p0 $0x88, s6;
	s7 =	simm.s32 @p2 $0x1082  }
0x22: {  	[simem:s7], [sflag:s8] =	dma.local @!p0 [hbm:s6], $0xF7A  }
0x23: {  	s9 =	sor.u32 $0xD0000000, s2;
	s6 =	simm.s32 $0x108;
	_ =	swait.ge @!p0 [sflag:s8], $0x0  }
0x24: {  	s3 =	sadd.s32 $0x88, s3;
	s6 =	simm.s32 @!p1 $0x1082;
	[sflag:s4] =	ssyncset.s32 $0xFFFFF086  }
0x25: {  	[simem:s6], [sflag:s4] =	dma.local [hbm:s3], $0xF7A  }
0x26: {  	[smem:$0x3F9E] =	sst s1;
	(tag) =	ssettag s2;
	_ =	strace s9  }
0x27: {  	s1 =	sld [smem:$0x3FAE]  }
0x28: {  	s2 =	sld [smem:$0x3FAF]  }
0x29: {  	s4 =	sld [smem:$0x3FB1]  }
0x2a: {  	p0 =	seq.s32 s5, $0x0;
	s5 =	sld [smem:$0x3FB2]  }
0x2b: {  	s6 =	sld [smem:$0x3FB3]  }
0x2c: {  	s7 =	sld [smem:$0x3FB4]  }
0x2d: {  	s3 =	simm.s32 $0x108;
	s8 =	sld [smem:$0x3FB5]  }
0x2e: {  	s3 =	simm.s32 @!p0 $0x1082;
	s9 =	sld [smem:$0x3FB6]  }
0x2f: {  	lr =	sadd.s32 s0, s3;
	s0 =	sld [smem:$0x3FAD]  }
0x30: {  	s3 =	sld [smem:$0x3FB0]  }
0x31: {  	[smem:$0x3FB9] =	sst s10  }
0x32: {  	s10 =	sld [smem:$0x3FB7];
	_ =	sdelay $0x3  }
0x33: {  	p0 =	seq.s32 s10, $0x1;
	s10 =	sld [smem:$0x3FB9];
	_ =	sdelay $0x3  }
0x34: {  	[smem:$0x3FB9] =	sst s10  }
0x35: {  	s10 =	sld [smem:$0x3FB8];
	_ =	sdelay $0x3  }
0x36: {  	p1 =	seq.s32 s10, $0x1;
	s10 =	sld [smem:$0x3FB9];
	_ =	sdelay $0x3  }
0x37: {  	[smem:$0x3FB9] =	sst s10  }
0x38: {  	s10 =	sld [smem:$0x3FBA]  }
0x39: {  	_ = 	snop;
	(pc) =	sbr.ind lr, $3  }
0x3a: {  	_ = 	snop  }
0x3b: {  	_ = 	snop  }
0x3c: {  	p2 =	seq.s32 s10, $0x1;
	s10 =	sld [smem:$0x3FB9]  }
0x3d: {  	_ =	shalt  }
0x3e: {  	_ =	shalt  }
0x3f: {  	_ =	shalt  }
0x40: {  	_ =	shalt  }
0x41: {  	_ =	shalt  }
0x42: {  	_ =	shalt  }
0x43: {  	_ =	shalt  }
0x44: {  	_ =	shalt  }
0x45: {  	_ =	shalt  }
0x46: {  	_ =	shalt  }
0x47: {  	_ =	shalt  }
0x48: {  	_ =	shalt  }
0x49: {  	_ =	shalt  }
0x4a: {  	_ =	shalt  }
0x4b: {  	_ =	shalt  }
0x4c: {  	_ =	shalt  }
0x4d: {  	_ =	shalt  }
0x4e: {  	_ =	shalt  }
0x4f: {  	_ =	shalt  }
0x50: {  	_ =	shalt  }
0x51: {  	_ =	shalt  }
0x52: {  	_ =	shalt  }
0x53: {  	_ =	shalt  }
0x54: {  	_ =	shalt  }
0x55: {  	_ =	shalt  }
0x56: {  	_ =	shalt  }
0x57: {  	_ =	shalt  }
0x58: {  	_ =	shalt  }
0x59: {  	_ =	shalt  }
0x5a: {  	_ =	shalt  }
0x5b: {  	_ =	shalt  }
0x5c: {  	_ =	shalt  }
0x5d: {  	_ =	shalt  }
0x5e: {  	_ =	shalt  }
0x5f: {  	_ =	shalt  }
0x60: {  	_ =	shalt  }
0x61: {  	_ =	shalt  }
0x62: {  	_ =	shalt  }
0x63: {  	_ =	shalt  }
0x64: {  	_ =	shalt  }
0x65: {  	_ =	shalt  }
0x66: {  	_ =	shalt  }
0x67: {  	_ =	shalt  }
0x68: {  	_ =	shalt  }
0x69: {  	_ =	shalt  }
0x6a: {  	_ =	shalt  }
0x6b: {  	_ =	shalt  }
0x6c: {  	_ =	shalt  }
0x6d: {  	_ =	shalt  }
0x6e: {  	_ =	shalt  }
0x6f: {  	_ =	shalt  }
0x70: {  	_ =	shalt  }
0x71: {  	_ =	shalt  }
0x72: {  	_ =	shalt  }
0x73: {  	_ =	shalt  }
0x74: {  	_ =	shalt  }
0x75: {  	_ =	shalt  }
0x76: {  	_ =	shalt  }
0x77: {  	_ =	shalt  }
0x78: {  	_ =	shalt  }
0x79: {  	_ =	shalt  }
0x7a: {  	_ =	shalt  }
0x7b: {  	_ =	shalt  }
0x7c: {  	_ =	shalt  }
0x7d: {  	_ =	shalt  }
0x7e: {  	_ =	shalt  }
0x7f: {  	_ =	shalt  }
0x80: {  	_ =	shalt  }
0x81: {  	_ =	shalt  }
0x82: {  	_ =	shalt  }
0x83: {  	_ =	shalt  }
0x84: {  	_ =	shalt  }
0x85: {  	_ =	shalt  }
0x86: {  	_ =	shalt  }
0x87: {  	_ =	shalt  }
.Lfunc_end0:
.L_simem_size_0:
called_computation.2_lowered:
.L_overlay_start_0:
0x88: {  	s2 =	sld [smem:$0x3FD9]  }
0x89: {  	s3 =	sld [smem:$0x3FFE];
	_ =	sdelay $0x1  }
0x8a: {  	s1 =	srdreg.scid  }
0x8b: {  	s0 =	sand.u32 $0x1, s1  }
0x8c: {  	s16 =	sshll.u32 s0, $0xA;
	s2 =	sadd.s32 s3, s2  }
0x8d: {  	s2 =	sadd.s32 s2, s16  }
0x8e: {  	[smem:$0x3FC5] =	sst s2  }
0x8f: {  	_ = 	snop  }
0x90: {  	(tm) =	ssettm $0x1  }
0x91: {  	s17 =	sld [smem:$0x3FFB];
	_ =	sdelay $0x3  }
0x92: {  	_ =	strace s17  }
0x93: {  	s2 =	sld [smem:$0x3FFC];
	_ =	sdelay $0x3  }
0x94: {  	_ =	strace s2  }
0x95: {  	s2 =	sld [smem:$0x3FFD];
	_ =	sdelay $0x3  }
0x96: {  	_ =	strace s2  }
0x97: {  	_ =	strace $0x8FFFFFFF  }
0x98: {  	s18 =	sld [smem:$0x3FDB];
	_ =	sdelay $0x1  }
0x99: {  	s19 =	simm.s32 $_scs_section_size  }
0x9a: {  	s4 =	simm.s32 $_size__tile_overlayer_lowered;
	s5 =	simm.s32 $_tile_overlayer_lowered  }
0x9b: {  	s22 =	simm.s32 $0x1BFF;
	s21 =	sshll.u32 s5, $0x1;
	s2 =	sadd.s32 s19, s18  }
0x9c: {  	s6 =	simm.s32 $0x0;
	s20 =	sshll.u32 s4, $0x1;
	s4 =	sadd.s32 s21, s2  }
0x9d: {  	[timem:s6], [sflag:s22] =	dma.local [hbm:s4], s20  }
0x9e: {  	_ =	swait.ge [sflag:s22], s20  }
0x9f: {  	s3 =	ssub.s32 $0x0, s20;
	[sflag:s22] =	ssyncset.done $0x0  }
0xa0: {  	[sflag:s22] =	ssyncadd.s32 s3;
	_ =	sdelay $0x1  }
0xa1: {  	s23 =	simm.s32 $0x1B8B  }
0xa2: {  	_ =	swait.ge [sflag:s23], $0x1  }
0xa3: {  	[sflag:s23] =	ssyncset.done $0x0  }
0xa4: {  	s25 =	simm.s32 $0x1B8E;
	s24 =	sld [smem:$0x3FFE];
	[sflag:s23] =	ssyncadd.s32 $0xFFFFFFFF  }
0xa5: {  	s26 =	simm.s32 $execute0_lowered;
	[smem:$0x3FD2] =	sst s25  }
0xa6: {  	s4 =	sshll.u32 s26, $0x1;
	_ =	strace $0x8000004C;
	[dreg:$0x1] =	wrdreg $0xFFFFFFFF  }
0xa7: {  	s28 =	simm.s32 $_size_execute0_lowered;
	s2 =	sadd.s32 s2, s4;
	[dreg:$0x0] =	wrdreg $0x0  }
0xa8: {  	s4 =	sshll.u32 s28, $0x1;
	[dreg:$0x2] =	wrdreg s2  }
0xa9: {  	[dreg:$0x3] =	wrdreg s4  }
0xaa: {  	[dreg:$0x4] =	wrdreg $0xC0  }
0xab: {  	_ =	task [dreg:s6], $0x5FFFF  }
0xac: {  	[dreg:$0x1] =	wrdreg $0xFFFFFFFF  }
0xad: {  	[dreg:$0x0] =	wrdreg $0x60  }
0xae: {  	[dreg:$0x2] =	wrdreg s24  }
0xaf: {  	[dreg:$0x3] =	wrdreg $0x9  }
0xb0: {  	_ =	task.clear_ibuf [dreg:s6], $0x4FFFF;
	_ =	strace $0x9000004C  }
0xb1: {  	s29 =	simm.s32 $0x9;
	_ =	strace $0x8000004E  }
0xb2: {  	_ =	swait.ge [sflag:s29], $0x1  }
0xb3: {  	[sflag:s29] =	ssyncadd.s32 $0xFFFFFFFF  }
0xb4: {  	_ =	strace $0x9000004E  }
0xb5: {  	_ =	sfence  }
0xb6: {  	s30 =	sld [smem:$0x0];
	_ =	sdelay $0x2  }
0xb7: {  	s31 =	sshll.u32 s1, $0xD;
	s1 =	sshrl.u32 s1, $0x2  }
0xb8: {  	s3 =	sand.u32 $0x4000, s31;
	s1 =	sadd.s32 s1, s30  }
0xb9: {  	s0 =	sor.u32 s3, s0;
	s1 =	sshll.u32 s1, $0x11  }
0xba: {  	s0 =	sor.u32 s1, s0  }
0xbb: {  	s0 =	sadd.s32 $0x8F2B, s0  }
0xbc: {  	[sflag:s0] =	ssyncadd.remote.s32 $0x1  }
0xbd: {  	_ =	sfence.sel $0xFFFF  }
0xbe: {  	[dreg:$0x0] =	wrdreg $0xFFFFFFFF;
	(pc) =	sbr.abs _section_cstart, $3  }
0xbf: {  	[dreg:$0x1] =	wrdreg $0xFFFFFFFF  }
0xc0: {  	_ =	task.clear_ibuf [dreg:s6], $0x2FFFF;
	_ =	strace $0x9FFFFFFF  }
0xc1: {  	(tm) =	ssettm $0x7FFFFFFF  }
tec
execute0_lowered:
.L_overlay_start_1:
0x0: {  	(tag) =	ssettag $0x1  }
0x1: {  	s3 =	rddreg [dreg:$0x0]  }
0x2: {  	s0 =	rddreg [dreg:$0x1]  }
0x3: {  	s4 =	srdreg.scid;
	s1 =	stileid.u32;
	s2 =	simm.s32 $0x0  }
0x4: {  	s10 =	simm.s32 $0x10000;
	s11 =	simm.s32 $0x1;
	s12 =	simm.s32 $0x12000  }
0x5: {  	s13 =	simm.s32 $0x2;
	s14 =	simm.s32 $0x12080;
	s15 =	simm.s32 $0x0  }
0x6: {  	s4 =	sand.u32 $0x1, s4;
	s5 =	sshll.u32 s1, $0x1;
	[smem:$0x7FF] =	sst s2  }
0x7: {  	s5 =	sor.u32 s4, s5;
	_ =	strace $0x8000004D;
	s4 =	ssub.s32 $0x2, s4  }
0x8: {  	s6 =	sshll.u32 s5, $0xC;
	s7 =	sshll.u32 s5, $0xA;
	s5 =	sshll.u32 s5, $0x4  }
0x9: {  	v0 =	vlaneseq.u32;
	s8 =	sshrl.u32 s4, $0x1;
	s6 =	sadd.s32 s6, s3;
	s7 =	sadd.s32 s7, s3  }
0xa: {  	v1 =	vand.u32 $0x3, v0;
	s9 =	sadd.s32 s5, s3;
	s8 =	ssub.s32 s4, s8;
	s3 =	sadd.s32 $0x401000, s6  }
0xb: {  	v1 =	vmul.u32 $0x8, v1;
	s4 =	sadd.s32 $0x1000, s6;
	s5 =	sadd.s32 $0x901000, s7;
	s6 =	sadd.s32 $0x909000, s9  }
0xc: {  	v0 =	vshrl.u32 v0, $0x2;
	s7 =	sadd.s32 $0x909200, s9;
	s8 =	smax.u32 s8, $0x1;
	s9 =	simm.s32 $0x8000  }
.LBB2_1:
0xd: {  	[tilespmem:s2], [sflag:$0x1] =	stream.linear.gather [hbm4b:s3+s2], $0x8000, $0x38;
	[tilespmem:$0x12100] =	vst v63  }
0xe: {  	_ = 	snop  }
0xf: {  	[tilespmem:s9], [sflag:$0x1] =	stream.linear.gather [hbm4b:s4+s2], $0x8000, $0x38;
	[tilespmem:$0x12100] =	vst v63  }
0x10: {  	_ = 	snop  }
0x11: {  	[tilespmem:s10], [sflag:$0x1] =	stream.linear.gather [hbm4b:s5+s2], $0x2000, $0x38;
	[tilespmem:$0x12100] =	vst v63  }
0x12: {  	_ =	swait.ge [sflag:s11], $0x8000  }
0x13: {  	[sflag:s11] =	ssyncset.done $0x0  }
0x14: {  	[sflag:s11] =	ssyncadd.s32 $0xFFFF8000  }
0x15: {  	_ =	swait.ge [sflag:s11], $0x8000  }
0x16: {  	v2 =	vor.u32 s2, v0;
	[sflag:s11] =	ssyncset.done $0x0  }
0x17: {  	s16 =	simm.s32 $0xC;
	[sflag:s11] =	ssyncadd.s32 $0xFFFF8000  }
0x18: {  	v3 =	vor.u32 s16, v0;
	_ =	swait.ge [sflag:s11], $0x2000  }
0x19: {  	s29 =	simm.s32 $0x4;
	[sflag:s11] =	ssyncset.done $0x0  }
0x1a: {  	s30 =	simm.s32 $0x8;
	v4 =	vor.u32 s29, v0;
	[sflag:s11] =	ssyncadd.s32 $0xFFFFE000  }
0x1b: {  	s17 =	simm.s32 $0x20;
	v5 =	vor.u32 s30, v0;
	v2 =	vld.idx.msk [tilespmem:v2+s10+$0x0], $0xffff  }
0x1c: {  	v6 =	vld [tilespmem:s17+$0x10]  }
0x1d: {  	s16 =	simm.s32 $0x8020;
	v3 =	vld.idx.msk [tilespmem:v3+s10+$0x0], $0xffff  }
0x1e: {  	v7 =	vld [tilespmem:s16+$0x10]  }
0x1f: {  	v11 =	vld.idx.msk [tilespmem:v4+s10+$0x0], $0xffff  }
0x20: {  	s18 =	simm.s32 $0x10;
	v9 =	vld.idx.msk [tilespmem:v5+s10+$0x0], $0xffff  }
0x21: {  	s19 =	simm.s32 $0x14;
	s31 =	simm.s32 $0x18;
	v10 =	vimm.f32 $0.0e+00;
	v8 =	vimm.f32 $0.0e+00;
	v17 =	vor.u32 s18, v0;
	v13 =	vld [tilespmem:s17+$0xFFFFFFE0]  }
0x22: {  	v16 =	vor.u32 s19, v0;
	v20 =	vor.u32 s31, v0;
	v4 =	vimm.f32 $0.0e+00;
	v18 =	vld [tilespmem:s16+$0xFFFFFFE0]  }
0x23: {  	v12 =	vld [tilespmem:s17+$0xFFFFFFF0];
	v5 =	vimm.f32 $0.0e+00;
	v2 =	vshrl.u32 v2, v1;
	v22 =	vshrl.u32 v3, v1  }
0x24: {  	v15 =	vld [tilespmem:s16+$0xFFFFFFF0];
	v21 =	vsub.f32 v6, v7;
	v6 =	vimm.f32 $0.0e+00;
	v7 =	vimm.f32 $0.0e+00  }
0x25: {  	s19 =	simm.s32 $0x1C;
	s18 =	simm.s32 $0x20;
	v14 =	vld [tilespmem:s17+$0x0];
	v3 =	vimm.f32 $0.0e+00;
	v19 =	vand.u32 $0x1, v2;
	v2 =	vimm.f32 $0.0e+00  }
.LBB2_2:
0x26: {  	p0 =	sne.s32 s18, $0x1FF0;
	v23 =	vor.u32 s19, v0;
	v24 =	vshrl.u32 v11, v1;
	v25 =	vld [tilespmem:s16+$0x0];
	v11 =	vand.u32 $0x1, v22  }
0x27: {  	v22 =	vld.idx.msk [tilespmem:v17+s10+$0x0], $0xffff;
	v13 =	vsub.f32 v13, v18;
	v17 =	vcvt.s32.f32 v11;
	v18 =	vmul.f32 v21, v21  }
0x28: {  	v21 =	vshrl.u32 v9, v1;
	v11 =	vld.idx.msk [tilespmem:v16+s10+$0x0], $0xffff;
	v16 =	vcvt.s32.f32 v19;
	v19 =	vand.u32 $0x1, v24  }
0x29: {  	s17 =	sadd.s32 $0x40, s17;
	v9 =	vld.idx.msk [tilespmem:v20+s10+$0x0], $0xffff;
	v13 =	vmul.f32 v13, v13;
	v12 =	vsub.f32 v12, v15;
	v15 =	vmul.f32 v17, v18  }
0x2a: {  	v18 =	vcvt.s32.f32 v19;
	v19 =	vand.u32 $0x1, v21;
	v4 =	vadd.f32 v17, v4;
	v24 =	vld [tilespmem:s17+$0x10]  }
0x2b: {  	s16 =	sadd.s32 $0x40, s16;
	v21 =	vld.idx.msk [tilespmem:v23+s10+$0x0], $0xffff;
	v12 =	vmul.f32 v12, v12;
	v14 =	vsub.f32 v14, v25;
	v10 =	vadd.f32 v15, v10  }
0x2c: {  	v15 =	vmul.f32 v16, v13;
	v8 =	vadd.f32 v18, v8;
	v25 =	vcvt.s32.f32 v19;
	v23 =	vld [tilespmem:s16+$0x10]  }
.Ltmp0:
0x2d: {  	s19 =	sadd.s32 $0x4, s18;
	v6 =	vadd.f32 v16, v6;
	v13 =	vld [tilespmem:s17+$0xFFFFFFE0];
	v19 =	vmul.f32 v18, v12;
	v14 =	vmul.f32 v14, v14;
	(pc) =	sbr.rel @p0 .LBB2_2-.Ltmp0, $4  }
0x2e: {  	v17 =	vor.u32 s18, v0;
	v16 =	vor.u32 s19, v0;
	v5 =	vadd.f32 v15, v5;
	v18 =	vld [tilespmem:s16+$0xFFFFFFE0]  }
0x2f: {  	s19 =	sadd.s32 $0x8, s18;
	v15 =	vshrl.u32 v22, v1;
	v12 =	vld [tilespmem:s17+$0xFFFFFFF0];
	v7 =	vadd.f32 v19, v7;
	v26 =	vmul.f32 v25, v14  }
0x30: {  	v20 =	vor.u32 s19, v0;
	v3 =	vadd.f32 v25, v3;
	v19 =	vand.u32 $0x1, v15;
	v15 =	vld [tilespmem:s16+$0xFFFFFFF0]  }
0x31: {  	s19 =	sadd.s32 $0xC, s18;
	s18 =	sadd.s32 $0x10, s18;
	v22 =	vshrl.u32 v21, v1;
	v14 =	vld [tilespmem:s17+$0x0];
	v21 =	vsub.f32 v24, v23;
	v2 =	vadd.f32 v26, v2  }
0x32: {  	_ =	sdelay $0x2  }
0x33: {  	v24 =	vld [tilespmem:s16+$0x0]  }
0x34: {  	v17 =	vld.idx.msk [tilespmem:v17+s10+$0x0], $0xffff  }
0x35: {  	v16 =	vld.idx.msk [tilespmem:v16+s10+$0x0], $0xffff  }
0x36: {  	v20 =	vld.idx.msk [tilespmem:v20+s10+$0x0], $0xffff;
	s17 =	sadd.s32 $0x40, s17  }
0x37: {  	v22 =	vand.u32 $0x1, v22;
	v11 =	vshrl.u32 v11, v1;
	v19 =	vcvt.s32.f32 v19;
	s31 =	sadd.s32 $0x40, s16;
	v52 =	vld [tilespmem:s17+$0x10]  }
0x38: {  	v9 =	vshrl.u32 v9, v1;
	v13 =	vsub.f32 v13, v18;
	v51 =	vcvt.s32.f32 v22;
	v53 =	vld [tilespmem:s31+$0x10]  }
0x39: {  	v21 =	vmul.f32 v21, v21;
	v11 =	vand.u32 $0x1, v11;
	v54 =	vld [tilespmem:s17+$0xFFFFFFE0];
	v9 =	vand.u32 $0x1, v9  }
0x3a: {  	v23 =	vor.u32 s19, v0;
	v55 =	vld [tilespmem:s31+$0xFFFFFFE0];
	v11 =	vcvt.s32.f32 v11;
	v9 =	vcvt.s32.f32 v9  }
0x3b: {  	v56 =	vld [tilespmem:s17+$0xFFFFFFF0];
	v6 =	vadd.f32 v19, v6;
	v12 =	vsub.f32 v12, v15;
	v13 =	vmul.f32 v13, v13  }
0x3c: {  	v57 =	vld [tilespmem:s31+$0xFFFFFFF0];
	v21 =	vmul.f32 v51, v21;
	v4 =	vadd.f32 v51, v4;
	v8 =	vadd.f32 v11, v8  }
0x3d: {  	v58 =	vld [tilespmem:s17+$0x0];
	v3 =	vadd.f32 v9, v3;
	v12 =	vmul.f32 v12, v12;
	v14 =	vsub.f32 v14, v24  }
0x3e: {  	v60 =	vld [tilespmem:s31+$0x0];
	v10 =	vadd.f32 v21, v10;
	v13 =	vmul.f32 v19, v13;
	v17 =	vshrl.u32 v17, v1  }
0x3f: {  	v16 =	vshrl.u32 v16, v1;
	v20 =	vshrl.u32 v20, v1;
	v15 =	vsub.f32 v52, v53  }
0x40: {  	v23 =	vld.idx.msk [tilespmem:v23+s10+$0x0], $0xffff;
	v17 =	vand.u32 $0x1, v17;
	v18 =	vsub.f32 v54, v55;
	v16 =	vand.u32 $0x1, v16  }
0x41: {  	v61 =	vand.u32 $0x1, v20;
	v11 =	vmul.f32 v11, v12;
	v14 =	vmul.f32 v14, v14  }
0x42: {  	v5 =	vadd.f32 v13, v5;
	v17 =	vcvt.s32.f32 v17;
	v12 =	vsub.f32 v56, v57  }
0x43: {  	v13 =	vsub.f32 v58, v60;
	v16 =	vcvt.s32.f32 v16;
	v62 =	vcvt.s32.f32 v61  }
0x44: {  	v15 =	vmul.f32 v15, v15;
	v18 =	vmul.f32 v18, v18;
	v7 =	vadd.f32 v11, v7  }
0x45: {  	v14 =	vmul.f32 v9, v14;
	v12 =	vmul.f32 v12, v12;
	v59 =	vshrl.u32 v23, v1  }
0x46: {  	v13 =	vmul.f32 v13, v13;
	v8 =	vadd.f32 v16, v8;
	v11 =	vand.u32 $0x1, v59  }
0x47: {  	v6 =	vadd.f32 v17, v6;
	v63 =	vmul.f32 v17, v18;
	v11 =	vcvt.s32.f32 v11  }
0x48: {  	v3 =	vadd.f32 v62, v3;
	v2 =	vadd.f32 v14, v2;
	v12 =	vmul.f32 v16, v12  }
0x49: {  	v13 =	vmul.f32 v62, v13;
	v5 =	vadd.f32 v63, v5;
	v15 =	vmul.f32 v11, v15  }
0x4a: {  	v7 =	vadd.f32 v12, v7;
	v4 =	vadd.f32 v11, v4  }
0x4b: {  	v2 =	vadd.f32 v13, v2;
	v10 =	vadd.f32 v15, v10  }
0x4c: {  	v6 =	vadd.f32 v8, v6;
	v3 =	vadd.f32 v4, v3  }
0x4d: {  	v5 =	vadd.f32 v7, v5;
	v2 =	vadd.f32 v10, v2  }
0x4e: {  	v3 =	vadd.f32 v3, v6  }
0x4f: {  	v2 =	vadd.f32 v2, v5  }
0x50: {  	[tilespmem:$0x12080] =	vst v3  }
0x51: {  	[tilespmem:$0x12000] =	vst v2  }
0x52: {  	[hbm4b:s6+s2] =	stream.linear.scatter [tilespmem:s12], [sflag:$0x2], $0x80, $0x38;
	[tilespmem:$0x12100] =	vst v63  }
0x53: {  	s15 =	sadd.s32 $0x1, s15;
	_ =	swait.ge [sflag:s13], $0x80  }
0x54: {  	p0 =	sne.s32 s15, s8;
	[sflag:s13] =	ssyncset.done $0x0  }
.Ltmp1:
0x55: {  	[sflag:s13] =	ssyncadd.s32 $0xFFFFFF80;
	(pc) =	sbr.rel @p0 .LBB2_1-.Ltmp1, $4  }
0x56: {  	[hbm4b:s7+s2] =	stream.linear.scatter [tilespmem:s14], [sflag:$0x2], $0x80, $0x38;
	[tilespmem:$0x12100] =	vst v63  }
0x57: {  	_ =	swait.ge [sflag:s13], $0x80  }
0x58: {  	[sflag:s13] =	ssyncset.done $0x0  }
0x59: {  	[sflag:s13] =	ssyncadd.s32 $0xFFFFFF80  }
0x5a: {  	_ =	sfence.sel $0x180000  }
0x5b: {  	[bflag:$0x0] =	sbarrier.arrive $0xFFFF  }
0x5c: {  	p0 =	sne.s32 s1, $0x0;
	_ =	strace $0x9000004D  }
0x5d: {  	s0 =	sadd.s32 @!p0 $0x100000, s0;
	[bflag:$0x2] =	sbarrier.arrive $0xFFFF  }
0x5e: {  	[sflag:s0] =	ssyncadd.tile.s32 @!p0 $0x1;
	_ =	shalt  }
.Lfunc_end2:
_tile_overlayer_lowered:
.L_overlay_start_2:
0x5f: {  	(tag) =	ssettag $0x2  }
0x60: {  	s0 =	rddreg [dreg:$0x0];
	s2 =	stileid.u32  }
0x61: {  	s1 =	rddreg [dreg:$0x1];
	p0 =	sne.s32 s2, $0x0  }
0x62: {  	s3 =	rddreg [dreg:$0x2];
	[bflag:$0x3] =	sbarrier.arrive $0xFFFF;
	s2 =	simm.s32 @!p0 $0x1C02  }
0x63: {  	[timem:s3], [sflag:s2] =	dma.local @!p0 [hbm:s0], s1  }
0x64: {  	s0 =	simm.s32 @!p0 $0x2  }
0x65: {  	_ =	swait.ge @!p0 [sflag:s0], s1  }
0x66: {  	s1 =	ssub.s32 @!p0 $0x0, s1;
	[sflag:s0] =	ssyncset.done @!p0 $0x0  }
0x67: {  	[sflag:s0] =	ssyncadd.s32 @!p0 s1  }
0x68: {  	[bflag:$0x3] =	sbarrier.arrive $0xFFFF  }
0x69: {  	_ =	shalt  }

// kernel: sparse-core-data-format-call.1.cloned.1.call-start
scs
called_computation.1_lowered:
.L_overlay_start_0:
0x0: {  	s2 =	sld [smem:$0x3FD9]  }
0x1: {  	s3 =	sld [smem:$0x3FFE];
	_ =	sdelay $0x1  }
0x2: {  	s1 =	srdreg.scid  }
0x3: {  	s0 =	sand.u32 $0x1, s1  }
0x4: {  	s18 =	sshll.u32 s0, $0xA;
	s2 =	sadd.s32 s3, s2  }
0x5: {  	s2 =	sadd.s32 s2, s18  }
0x6: {  	[smem:$0x3FC5] =	sst s2  }
0x7: {  	_ = 	snop  }
0x8: {  	s19 =	sld [smem:$0x3FC9];
	(tm) =	ssettm $0x1  }
0x9: {  	s20 =	sld [smem:$0x3FFB];
	_ =	sdelay $0x3  }
0xa: {  	_ =	strace s20  }
0xb: {  	s2 =	sld [smem:$0x3FFC];
	_ =	sdelay $0x3  }
0xc: {  	_ =	strace s2  }
0xd: {  	s2 =	sld [smem:$0x3FFD];
	_ =	sdelay $0x3  }
0xe: {  	_ =	strace s2  }
0xf: {  	_ =	strace $0x8FFFFFFF  }
0x10: {  	s21 =	sld [smem:$0x3FDB];
	_ =	sdelay $0x1  }
0x11: {  	s4 =	simm.s32 $_scs_section_size  }
0x12: {  	s5 =	simm.s32 $_size__tile_overlayer_lowered;
	s6 =	simm.s32 $_tile_overlayer_lowered  }
0x13: {  	s7 =	simm.s32 $0x1BFF;
	s22 =	sshll.u32 s6, $0x1;
	s4 =	sadd.s32 s4, s21  }
0x14: {  	s23 =	simm.s32 $0x0;
	s5 =	sshll.u32 s5, $0x1;
	s6 =	sadd.s32 s22, s4  }
0x15: {  	[timem:s23], [sflag:s7] =	dma.local [hbm:s6], s5  }
0x16: {  	_ =	swait.ge [sflag:s7], s5  }
0x17: {  	s5 =	ssub.s32 $0x0, s5;
	[sflag:s7] =	ssyncset.done $0x0  }
0x18: {  	[sflag:s7] =	ssyncadd.s32 s5;
	_ =	sdelay $0x1  }
0x19: {  	s24 =	simm.s32 $0x1B8B  }
0x1a: {  	_ =	swait.ge [sflag:s24], $0x1  }
0x1b: {  	[sflag:s24] =	ssyncset.done $0x0  }
0x1c: {  	[sflag:s24] =	ssyncadd.s32 $0xFFFFFFFF  }
0x1d: {  	s5 =	sld [smem:$0x0]  }
0x1e: {  	s6 =	sand.u32 $0xFFFFFFFE, s1  }
0x1f: {  	p0 =	sne.s32 s1, s6  }
0x20: {  	s6 =	sshll.u32 @p0 s6, $0xE  }
0x21: {  	s6 =	sadd.s32 @p0 $0x11B8D, s6;
	s7 =	sshll.u32 @p0 s5, $0x11  }
0x22: {  	s6 =	sor.u32 @p0 s7, s6  }
0x23: {  	[sflag:s6] =	ssyncadd.remote.s32 @p0 $0x1;
	_ =	sdelay $0x1  }
0x24: {  	s6 =	simm.s32 @p0 $0x1B8D  }
0x25: {  	_ =	swait.eq @p0 [sflag:s6], $0x1  }
0x26: {  	[sflag:s6] =	ssyncadd.s32 @p0 $0xFFFFFFFF  }
0x27: {  	s7 =	sshll.u32 @!p0 s1, $0xE  }
0x28: {  	s7 =	sor.u32 @!p0 $0x4000, s7;
	s6 =	simm.s32 @!p0 $0x1B8D  }
0x29: {  	s5 =	sshll.u32 @!p0 s5, $0x11;
	s7 =	sadd.s32 @!p0 $0x11B8D, s7;
	_ =	swait.eq @!p0 [sflag:s6], $0x1  }
0x2a: {  	s5 =	sor.u32 @!p0 s5, s7;
	[sflag:s6] =	ssyncadd.s32 @!p0 $0xFFFFFFFF  }
0x2b: {  	s26 =	simm.s32 $0x1B8E;
	s25 =	sld [smem:$0x3FFE];
	[sflag:s5] =	ssyncadd.remote.s32 @!p0 $0x1  }
0x2c: {  	s27 =	simm.s32 $execute0_lowered;
	[smem:$0x3FD2] =	sst s26  }
0x2d: {  	s6 =	sshll.u32 s27, $0x1;
	_ =	strace $0x80000049;
	[dreg:$0x1] =	wrdreg $0xFFFFFFFF  }
0x2e: {  	s28 =	simm.s32 $_size_execute0_lowered;
	s4 =	sadd.s32 s4, s6;
	[dreg:$0x0] =	wrdreg $0x0  }
0x2f: {  	s6 =	sshll.u32 s28, $0x1;
	[dreg:$0x2] =	wrdreg s4  }
0x30: {  	[dreg:$0x3] =	wrdreg s6  }
0x31: {  	[dreg:$0x4] =	wrdreg $0xC0  }
0x32: {  	_ =	task [dreg:s23], $0x5FFFF  }
0x33: {  	[dreg:$0x1] =	wrdreg $0xFFFFFFFF  }
0x34: {  	[dreg:$0x0] =	wrdreg $0x60  }
0x35: {  	[dreg:$0x2] =	wrdreg s19  }
0x36: {  	[dreg:$0x3] =	wrdreg s25  }
0x37: {  	[dreg:$0x4] =	wrdreg $0xA  }
0x38: {  	_ =	task.clear_ibuf [dreg:s23], $0x5FFFF;
	_ =	strace $0x90000049  }
0x39: {  	s29 =	simm.s32 $0xA;
	_ =	strace $0x8000004B  }
0x3a: {  	_ =	swait.ge [sflag:s29], $0x1  }
0x3b: {  	[sflag:s29] =	ssyncadd.s32 $0xFFFFFFFF  }
0x3c: {  	_ =	strace $0x9000004B  }
0x3d: {  	_ =	sfence  }
0x3e: {  	s30 =	sld [smem:$0x0];
	_ =	sdelay $0x2  }
0x3f: {  	s31 =	sshll.u32 s1, $0xD;
	s1 =	sshrl.u32 s1, $0x2  }
0x40: {  	s4 =	sand.u32 $0x4000, s31;
	s1 =	sadd.s32 s1, s30  }
0x41: {  	s0 =	sor.u32 s4, s0;
	s1 =	sshll.u32 s1, $0x11  }
0x42: {  	s0 =	sor.u32 s1, s0  }
0x43: {  	s0 =	sadd.s32 $0x8F2B, s0  }
0x44: {  	[sflag:s0] =	ssyncadd.remote.s32 $0x1  }
0x45: {  	_ =	sfence.sel $0xFFFF  }
0x46: {  	[dreg:$0x0] =	wrdreg $0xFFFFFFFF;
	(pc) =	sbr.abs _section_cstart, $3  }
0x47: {  	[dreg:$0x1] =	wrdreg $0xFFFFFFFF  }
0x48: {  	_ =	task.clear_ibuf [dreg:s23], $0x2FFFF;
	_ =	strace $0x9FFFFFFF  }
0x49: {  	(tm) =	ssettm $0x7FFFFFFF  }
tec
execute0_lowered:
.L_overlay_start_1:
0x0: {  	(tag) =	ssettag $0x1  }
0x1: {  	s2 =	rddreg [dreg:$0x0]  }
0x2: {  	s1 =	rddreg [dreg:$0x1]  }
0x3: {  	s0 =	rddreg [dreg:$0x2];
	_ =	strace $0x8000004A;
	s4 =	srdreg.scid  }
.Ltmp0:
0x4: {  	s6 =	simm.s32 $0x2;
	p0 =	por $0x0, $0x0;
	(pc) =	sbr.rel .LBB1_1-.Ltmp0, $4  }
0x5: {  	s9 =	simm.s32 $0x0;
	s3 =	sadd.s32 $0x401000, s1;
	s5 =	sshll.u32 s4, $0x4  }
0x6: {  	s1 =	stileid.u32;
	s4 =	simm.s32 $0x1;
	s5 =	sand.u32 $0x10, s5  }
0x7: {  	s7 =	simm.s32 $0x0;
	[sflag:s4] =	ssyncpa.u1 $0x0;
	s5 =	sor.u32 s1, s5  }
0x8: {  	[sflag:s6] =	ssyncpa.u1 $0x0;
	s6 =	simm.s32 $0x0;
	s8 =	smov.u32 s5  }
.LBB1_7:
0x9: {  	s11 =	sadd.s32 $0x20, s8  }
0xa: {  	p1 =	slt.u32 s7, $0x2;
	s7 =	sadd.s32 $0x1, s7;
	p2 =	sgt.s32 s11, $0x7FF  }
0xb: {  	s11 =	smov.u32 @p2 s5;
	p2 =	sne.s32 s7, $0x42  }
.Ltmp1:
0xc: {  	_ = 	snop;
	(pc) =	sbr.rel @!p2 .LBB1_8-.Ltmp1, $4  }
0xd: {  	s10 =	simm.s32 @!p1 $0x2  }
0xe: {  	_ =	swait.ge @!p1 [sflag:s10], $0x4000  }
0xf: {  	s9 =	smov.u32 s8;
	[sflag:s10] =	ssyncset.done @!p1 $0x0  }
0x10: {  	p0 =	por !p0, !p0;
	s8 =	smov.u32 s11;
	[sflag:s10] =	ssyncadd.s32 @!p1 $0xFFFFC000  }
.LBB1_1:
0x11: {  	p1 =	sgt.u32 s7, $0x3F  }
0x12: {  	s10 =	sxor.u32 @!p1 $0xFFFFFFFF, s7  }
0x13: {  	s11 =	sshll.u32 @!p1 s8, $0xB;
	s10 =	sshll.u32 @!p1 s10, $0xE  }
0x14: {  	s12 =	simm.s32 @!p1 $0x0;
	s11 =	sadd.s32 @!p1 s2, s11;
	s10 =	sand.u32 @!p1 $0x4000, s10  }
0x15: {  	[tilespmem:s10], [sflag:$0x1] =	stream.linear.gather @!p1 [hbm4b:s11+s12], $0x4000, $0x38;
	[tilespmem:$0x10000] =	vst v63  }
0x16: {  	p1 =	seq.s32 s7, $0x0  }
0x17: {  	p2 =	seq.s32 @!p1 s7, $0x41  }
0x18: {  	p1 =	por p1, p2  }
.Ltmp2:
0x19: {  	_ = 	snop;
	(pc) =	sbr.rel @p1 .LBB1_7-.Ltmp2, $1  }
0x1a: {  	_ =	sdelay $0x3  }
0x1b: {  	s10 =	simm.s32 $0x1;
	_ =	swait.ge [sflag:s4], $0x4000;
	s12 =	sshll.u32 s7, $0xE  }
0x1c: {  	s13 =	simm.s32 $0x0;
	s10 =	simm.s32 @!p0 $0x0;
	[sflag:s4] =	ssyncset.done $0x0  }
0x1d: {  	s12 =	sand.u32 $0x4000, s12;
	s11 =	sshll.u32 s10, $0xE;
	[sflag:s4] =	ssyncadd.s32 $0xFFFFC000  }
0x1e: {  	s12 =	sor.u32 $0x8000, s12;
	s10 =	sor.u32 $0x8040, s11;
	s11 =	sor.u32 $0x40, s11  }
.LBB1_3:
0x1f: {  	v0 =	vmov s11;
	_ =	sdelay $0x3  }
0x20: {  	s15 =	simm.s32 $0x0  }
0x21: {  	v6 =	vld.idx.msk [tilespmem:v0+s15+$0x30 ss:$0x1], $0xffff  }
0x22: {  	v7 =	vld.idx.msk [tilespmem:v0+s15+$0xFFFFFFC0 ss:$0x1], $0xffff  }
0x23: {  	v5 =	vld.idx.msk [tilespmem:v0+s15+$0xFFFFFFD0 ss:$0x1], $0xffff  }
0x24: {  	v4 =	vld.idx.msk [tilespmem:v0+s15+$0xFFFFFFE0 ss:$0x1], $0xffff  }
0x25: {  	v3 =	vld.idx.msk [tilespmem:v0+s15+$0xFFFFFFF0 ss:$0x1], $0xffff  }
0x26: {  	v1 =	vld.idx.msk [tilespmem:v0+s15+$0x0 ss:$0x1], $0xffff  }
0x27: {  	v2 =	vld.idx.msk [tilespmem:v0+s15+$0x10 ss:$0x1], $0xffff;
	[tilespmem:s10+$0x30] =	vst v6  }
0x28: {  	s14 =	simm.s32 $0x80;
	s16 =	simm.s32 $0x400;
	[tilespmem:s10+$0xFFFFFFC0] =	vst v7;
	v6 =	vld.idx.msk [tilespmem:v0+s15+$0x20 ss:$0x1], $0xffff;
	s15 =	smov.u32 s10  }
.LBB1_4:
0x29: {  	p1 =	sne.s32 s16, $0xE00;
	v7 =	vld.idx.msk [tilespmem:v0+s14+$0x30 ss:$0x1], $0xffff;
	[tilespmem:s15+$0xFFFFFFD0] =	vst v5  }
0x2a: {  	v8 =	vld.idx.msk [tilespmem:v0+s14+$0xFFFFFFC0 ss:$0x1], $0xffff;
	[tilespmem:s15+$0xFFFFFFE0] =	vst v4  }
0x2b: {  	v5 =	vld.idx.msk [tilespmem:v0+s14+$0xFFFFFFD0 ss:$0x1], $0xffff;
	[tilespmem:s15+$0xFFFFFFF0] =	vst v3  }
.Ltmp3:
0x2c: {  	v4 =	vld.idx.msk [tilespmem:v0+s14+$0xFFFFFFE0 ss:$0x1], $0xffff;
	[tilespmem:s15+$0x0] =	vst v1;
	(pc) =	sbr.rel @p1 .LBB1_4-.Ltmp3, $4  }
0x2d: {  	v3 =	vld.idx.msk [tilespmem:v0+s14+$0xFFFFFFF0 ss:$0x1], $0xffff;
	[tilespmem:s15+$0x10] =	vst v2  }
0x2e: {  	v1 =	vld.idx.msk [tilespmem:v0+s14+$0x0 ss:$0x1], $0xffff;
	[tilespmem:s15+$0x20] =	vst v6;
	s15 =	sadd.s32 $0x800, s15  }
0x2f: {  	v2 =	vld.idx.msk [tilespmem:v0+s14+$0x10 ss:$0x1], $0xffff;
	[tilespmem:s15+$0x30] =	vst v7  }
0x30: {  	[tilespmem:s15+$0xFFFFFFC0] =	vst v8;
	v6 =	vld.idx.msk [tilespmem:v0+s14+$0x20 ss:$0x1], $0xffff;
	s14 =	sshra.s32 s16, $0x2;
	s16 =	sadd.s32 $0x200, s16  }
0x31: {  	_ =	sdelay $0x2  }
0x32: {  	[tilespmem:s15+$0xFFFFFFD0] =	vst v5  }
0x33: {  	v56 =	vld.idx.msk [tilespmem:v0+s14+$0x30 ss:$0x1], $0xffff;
	[tilespmem:s15+$0xFFFFFFE0] =	vst v4  }
0x34: {  	v57 =	vld.idx.msk [tilespmem:v0+s14+$0xFFFFFFC0 ss:$0x1], $0xffff;
	[tilespmem:s15+$0xFFFFFFF0] =	vst v3  }
0x35: {  	v58 =	vld.idx.msk [tilespmem:v0+s14+$0xFFFFFFD0 ss:$0x1], $0xffff;
	[tilespmem:s15+$0x0] =	vst v1  }
0x36: {  	v59 =	vld.idx.msk [tilespmem:v0+s14+$0xFFFFFFE0 ss:$0x1], $0xffff;
	[tilespmem:s15+$0x10] =	vst v2  }
0x37: {  	v60 =	vld.idx.msk [tilespmem:v0+s14+$0xFFFFFFF0 ss:$0x1], $0xffff;
	s31 =	sadd.s32 $0x800, s15;
	[tilespmem:s15+$0x20] =	vst v6  }
0x38: {  	v61 =	vld.idx.msk [tilespmem:v0+s14+$0x0 ss:$0x1], $0xffff;
	[tilespmem:s31+$0x30] =	vst v56  }
0x39: {  	v62 =	vld.idx.msk [tilespmem:v0+s14+$0x10 ss:$0x1], $0xffff;
	s13 =	sadd.s32 $0x1, s13;
	[tilespmem:s31+$0xFFFFFFC0] =	vst v57  }
0x3a: {  	v63 =	vld.idx.msk [tilespmem:v0+s14+$0x20 ss:$0x1], $0xffff;
	p1 =	sne.s32 s13, $0x10;
	[tilespmem:s31+$0xFFFFFFD0] =	vst v58  }
.Ltmp4:
0x3b: {  	[tilespmem:s31+$0xFFFFFFE0] =	vst v59;
	(pc) =	sbr.rel @p1 .LBB1_3-.Ltmp4, $4  }
0x3c: {  	[tilespmem:s31+$0xFFFFFFF0] =	vst v60  }
0x3d: {  	[tilespmem:s31+$0x0] =	vst v61  }
0x3e: {  	[tilespmem:s31+$0x10] =	vst v62  }
0x3f: {  	s10 =	sadd.s32 $0x80, s10;
	s11 =	sadd.s32 $0x400, s11;
	[tilespmem:s31+$0x20] =	vst v63  }
.Ltmp5:
0x40: {  	(pc) =	sbr.rel .LBB1_7-.Ltmp5, $4  }
0x41: {  	_ = 	snop  }
0x42: {  	s9 =	sshll.u32 s9, $0xB  }
0x43: {  	s9 =	sadd.s32 s3, s9  }
0x44: {  	[hbm4b:s9+s6] =	stream.linear.scatter [tilespmem:s12], [sflag:$0x2], $0x4000, $0x38;
	[tilespmem:$0x10000] =	vst v63  }
.LBB1_8:
0x45: {  	_ =	sfence.sel $0x180000  }
0x46: {  	s2 =	simm.s32 $0x1;
	[bflag:$0x0] =	sbarrier.arrive $0xFFFF  }
0x47: {  	s31 =	simm.s32 $0x2;
	[sflag:s2] =	ssyncpa.u1 $0x1  }
0x48: {  	[sflag:s31] =	ssyncpa.u1 $0x1  }
0x49: {  	p0 =	sne.s32 s1, $0x0;
	_ =	strace $0x9000004A  }
0x4a: {  	s0 =	sadd.s32 @!p0 $0x100000, s0;
	[bflag:$0x2] =	sbarrier.arrive $0xFFFF  }
0x4b: {  	[sflag:s0] =	ssyncadd.tile.s32 @!p0 $0x1;
	_ =	shalt  }
.Lfunc_end1:
_tile_overlayer_lowered:
.L_overlay_start_2:
0x4c: {  	(tag) =	ssettag $0x2  }
0x4d: {  	s0 =	rddreg [dreg:$0x0];
	s2 =	stileid.u32  }
0x4e: {  	s1 =	rddreg [dreg:$0x1];
	p0 =	sne.s32 s2, $0x0  }
0x4f: {  	s3 =	rddreg [dreg:$0x2];
	[bflag:$0x3] =	sbarrier.arrive $0xFFFF;
	s2 =	simm.s32 @!p0 $0x1C01  }
0x50: {  	[timem:s3], [sflag:s2] =	dma.local @!p0 [hbm:s0], s1  }
0x51: {  	s0 =	simm.s32 @!p0 $0x1  }
0x52: {  	_ =	swait.ge @!p0 [sflag:s0], s1  }
0x53: {  	s1 =	ssub.s32 @!p0 $0x0, s1;
	[sflag:s0] =	ssyncset.done @!p0 $0x0  }
0x54: {  	[sflag:s0] =	ssyncadd.s32 @!p0 s1  }
0x55: {  	[bflag:$0x3] =	sbarrier.arrive $0xFFFF  }
0x56: {  	_ =	shalt  }

// kernel: sparse-core-data-format-call.cloned.1.call-start
scs
called_computation_lowered:
.L_overlay_start_0:
0x0: {  	s2 =	sld [smem:$0x3FD9]  }
0x1: {  	s3 =	sld [smem:$0x3FFE];
	_ =	sdelay $0x1  }
0x2: {  	s1 =	srdreg.scid  }
0x3: {  	s0 =	sand.u32 $0x1, s1  }
0x4: {  	s18 =	sshll.u32 s0, $0xA;
	s2 =	sadd.s32 s3, s2  }
0x5: {  	s2 =	sadd.s32 s2, s18  }
0x6: {  	[smem:$0x3FC5] =	sst s2  }
0x7: {  	_ = 	snop  }
0x8: {  	s2 =	sld [smem:$0x3FC8];
	(tm) =	ssettm $0x1  }
0x9: {  	s19 =	sld [smem:$0x3FFB];
	_ =	sdelay $0x3  }
0xa: {  	_ =	strace s19  }
0xb: {  	s3 =	sld [smem:$0x3FFC];
	_ =	sdelay $0x3  }
0xc: {  	_ =	strace s3  }
0xd: {  	s3 =	sld [smem:$0x3FFD];
	_ =	sdelay $0x3  }
0xe: {  	_ =	strace s3  }
0xf: {  	_ =	strace $0x8FFFFFFF  }
0x10: {  	s20 =	sld [smem:$0x3FDB];
	_ =	sdelay $0x1  }
0x11: {  	s4 =	simm.s32 $_scs_section_size  }
0x12: {  	s5 =	simm.s32 $_size__tile_overlayer_lowered;
	s6 =	simm.s32 $_tile_overlayer_lowered  }
0x13: {  	s23 =	simm.s32 $0x1BFF;
	s22 =	sshll.u32 s6, $0x1;
	s3 =	sadd.s32 s4, s20  }
0x14: {  	s7 =	simm.s32 $0x0;
	s21 =	sshll.u32 s5, $0x1;
	s5 =	sadd.s32 s22, s3  }
0x15: {  	[timem:s7], [sflag:s23] =	dma.local [hbm:s5], s21  }
0x16: {  	_ =	swait.ge [sflag:s23], s21  }
0x17: {  	s4 =	ssub.s32 $0x0, s21;
	[sflag:s23] =	ssyncset.done $0x0  }
0x18: {  	[sflag:s23] =	ssyncadd.s32 s4;
	_ =	sdelay $0x1  }
0x19: {  	s24 =	simm.s32 $0x1B8B  }
0x1a: {  	_ =	swait.ge [sflag:s24], $0x1  }
0x1b: {  	[sflag:s24] =	ssyncset.done $0x0  }
0x1c: {  	s26 =	simm.s32 $0x1B8E;
	s25 =	sld [smem:$0x3FFE];
	[sflag:s24] =	ssyncadd.s32 $0xFFFFFFFF  }
0x1d: {  	s27 =	simm.s32 $execute0_lowered;
	[smem:$0x3FD2] =	sst s26  }
0x1e: {  	s5 =	sshll.u32 s27, $0x1;
	_ =	strace $0x80000046;
	[dreg:$0x1] =	wrdreg $0xFFFFFFFF  }
0x1f: {  	s28 =	simm.s32 $_size_execute0_lowered;
	s3 =	sadd.s32 s3, s5;
	[dreg:$0x0] =	wrdreg $0x0  }
0x20: {  	s5 =	sshll.u32 s28, $0x1;
	[dreg:$0x2] =	wrdreg s3  }
0x21: {  	[dreg:$0x3] =	wrdreg s5  }
0x22: {  	[dreg:$0x4] =	wrdreg $0xC0  }
0x23: {  	_ =	task [dreg:s7], $0x5FFFF  }
0x24: {  	[dreg:$0x1] =	wrdreg $0xFFFFFFFF  }
0x25: {  	[dreg:$0x0] =	wrdreg $0x60  }
0x26: {  	[dreg:$0x2] =	wrdreg s2  }
0x27: {  	[dreg:$0x3] =	wrdreg s25  }
0x28: {  	[dreg:$0x4] =	wrdreg $0x9  }
0x29: {  	_ =	task.clear_ibuf [dreg:s7], $0x5FFFF;
	_ =	strace $0x90000046  }
0x2a: {  	s29 =	simm.s32 $0x9;
	_ =	strace $0x80000048  }
0x2b: {  	_ =	swait.ge [sflag:s29], $0x1  }
0x2c: {  	[sflag:s29] =	ssyncadd.s32 $0xFFFFFFFF  }
0x2d: {  	_ =	strace $0x90000048  }
0x2e: {  	_ =	sfence  }
0x2f: {  	s30 =	sld [smem:$0x0];
	_ =	sdelay $0x2  }
0x30: {  	s31 =	sshll.u32 s1, $0xD;
	s1 =	sshrl.u32 s1, $0x2  }
0x31: {  	s3 =	sand.u32 $0x4000, s31;
	s1 =	sadd.s32 s1, s30  }
0x32: {  	s0 =	sor.u32 s3, s0;
	s1 =	sshll.u32 s1, $0x11  }
0x33: {  	s0 =	sor.u32 s1, s0  }
0x34: {  	s0 =	sadd.s32 $0x8F2B, s0  }
0x35: {  	[sflag:s0] =	ssyncadd.remote.s32 $0x1  }
0x36: {  	_ =	sfence.sel $0xFFFF  }
0x37: {  	[dreg:$0x0] =	wrdreg $0xFFFFFFFF;
	(pc) =	sbr.abs _section_cstart, $3  }
0x38: {  	[dreg:$0x1] =	wrdreg $0xFFFFFFFF  }
0x39: {  	_ =	task.clear_ibuf [dreg:s7], $0x2FFFF;
	_ =	strace $0x9FFFFFFF  }
0x3a: {  	(tm) =	ssettm $0x7FFFFFFF  }
0x3b: {  	_ =	shalt  }
tec
execute0_lowered:
.L_overlay_start_1:
0x0: {  	(tag) =	ssettag $0x1  }
0x1: {  	s2 =	rddreg [dreg:$0x0]  }
0x2: {  	s1 =	rddreg [dreg:$0x1]  }
0x3: {  	s0 =	rddreg [dreg:$0x2];
	_ =	strace $0x80000047;
	s4 =	srdreg.scid  }
.Ltmp0:
0x4: {  	s6 =	simm.s32 $0x2;
	p0 =	por $0x0, $0x0;
	(pc) =	sbr.rel .LBB1_1-.Ltmp0, $4  }
0x5: {  	s9 =	simm.s32 $0x0;
	s3 =	sadd.s32 $0x1000, s1;
	s5 =	sshll.u32 s4, $0x4  }
0x6: {  	s1 =	stileid.u32;
	s4 =	simm.s32 $0x1;
	s5 =	sand.u32 $0x10, s5  }
0x7: {  	s7 =	simm.s32 $0x0;
	[sflag:s4] =	ssyncpa.u1 $0x0;
	s5 =	sor.u32 s1, s5  }
0x8: {  	[sflag:s6] =	ssyncpa.u1 $0x0;
	s6 =	simm.s32 $0x0;
	s8 =	smov.u32 s5  }
.LBB1_7:
0x9: {  	s11 =	sadd.s32 $0x20, s8  }
0xa: {  	p1 =	slt.u32 s7, $0x2;
	s7 =	sadd.s32 $0x1, s7;
	p2 =	sgt.s32 s11, $0x7FF  }
0xb: {  	s11 =	smov.u32 @p2 s5;
	p2 =	sne.s32 s7, $0x42  }
.Ltmp1:
0xc: {  	_ = 	snop;
	(pc) =	sbr.rel @!p2 .LBB1_8-.Ltmp1, $4  }
0xd: {  	s10 =	simm.s32 @!p1 $0x2  }
0xe: {  	_ =	swait.ge @!p1 [sflag:s10], $0x4000  }
0xf: {  	s9 =	smov.u32 s8;
	[sflag:s10] =	ssyncset.done @!p1 $0x0  }
0x10: {  	p0 =	por !p0, !p0;
	s8 =	smov.u32 s11;
	[sflag:s10] =	ssyncadd.s32 @!p1 $0xFFFFC000  }
.LBB1_1:
0x11: {  	p1 =	sgt.u32 s7, $0x3F  }
0x12: {  	s10 =	sxor.u32 @!p1 $0xFFFFFFFF, s7  }
0x13: {  	s11 =	sshll.u32 @!p1 s8, $0xB;
	s10 =	sshll.u32 @!p1 s10, $0xE  }
0x14: {  	s12 =	simm.s32 @!p1 $0x0;
	s11 =	sadd.s32 @!p1 s2, s11;
	s10 =	sand.u32 @!p1 $0x4000, s10  }
0x15: {  	[tilespmem:s10], [sflag:$0x1] =	stream.linear.gather @!p1 [hbm4b:s11+s12], $0x4000, $0x38;
	[tilespmem:$0x10000] =	vst v63  }
0x16: {  	p1 =	seq.s32 s7, $0x0  }
0x17: {  	p2 =	seq.s32 @!p1 s7, $0x41  }
0x18: {  	p1 =	por p1, p2  }
.Ltmp2:
0x19: {  	_ = 	snop;
	(pc) =	sbr.rel @p1 .LBB1_7-.Ltmp2, $1  }
0x1a: {  	_ =	sdelay $0x3  }
0x1b: {  	s10 =	simm.s32 $0x1;
	_ =	swait.ge [sflag:s4], $0x4000;
	s12 =	sshll.u32 s7, $0xE  }
0x1c: {  	s13 =	simm.s32 $0x0;
	s10 =	simm.s32 @!p0 $0x0;
	[sflag:s4] =	ssyncset.done $0x0  }
0x1d: {  	s12 =	sand.u32 $0x4000, s12;
	s11 =	sshll.u32 s10, $0xE;
	[sflag:s4] =	ssyncadd.s32 $0xFFFFC000  }
0x1e: {  	s12 =	sor.u32 $0x8000, s12;
	s10 =	sor.u32 $0x8040, s11;
	s11 =	sor.u32 $0x40, s11  }
.LBB1_3:
0x1f: {  	v0 =	vmov s11;
	_ =	sdelay $0x3  }
0x20: {  	s15 =	simm.s32 $0x0  }
0x21: {  	v6 =	vld.idx.msk [tilespmem:v0+s15+$0x30 ss:$0x1], $0xffff  }
0x22: {  	v7 =	vld.idx.msk [tilespmem:v0+s15+$0xFFFFFFC0 ss:$0x1], $0xffff  }
0x23: {  	v5 =	vld.idx.msk [tilespmem:v0+s15+$0xFFFFFFD0 ss:$0x1], $0xffff  }
0x24: {  	v4 =	vld.idx.msk [tilespmem:v0+s15+$0xFFFFFFE0 ss:$0x1], $0xffff  }
0x25: {  	v3 =	vld.idx.msk [tilespmem:v0+s15+$0xFFFFFFF0 ss:$0x1], $0xffff  }
0x26: {  	v1 =	vld.idx.msk [tilespmem:v0+s15+$0x0 ss:$0x1], $0xffff  }
0x27: {  	v2 =	vld.idx.msk [tilespmem:v0+s15+$0x10 ss:$0x1], $0xffff;
	[tilespmem:s10+$0x30] =	vst v6  }
0x28: {  	s14 =	simm.s32 $0x80;
	s16 =	simm.s32 $0x400;
	[tilespmem:s10+$0xFFFFFFC0] =	vst v7;
	v6 =	vld.idx.msk [tilespmem:v0+s15+$0x20 ss:$0x1], $0xffff;
	s15 =	smov.u32 s10  }
.LBB1_4:
0x29: {  	p1 =	sne.s32 s16, $0xE00;
	v7 =	vld.idx.msk [tilespmem:v0+s14+$0x30 ss:$0x1], $0xffff;
	[tilespmem:s15+$0xFFFFFFD0] =	vst v5  }
0x2a: {  	v8 =	vld.idx.msk [tilespmem:v0+s14+$0xFFFFFFC0 ss:$0x1], $0xffff;
	[tilespmem:s15+$0xFFFFFFE0] =	vst v4  }
0x2b: {  	v5 =	vld.idx.msk [tilespmem:v0+s14+$0xFFFFFFD0 ss:$0x1], $0xffff;
	[tilespmem:s15+$0xFFFFFFF0] =	vst v3  }
.Ltmp3:
0x2c: {  	v4 =	vld.idx.msk [tilespmem:v0+s14+$0xFFFFFFE0 ss:$0x1], $0xffff;
	[tilespmem:s15+$0x0] =	vst v1;
	(pc) =	sbr.rel @p1 .LBB1_4-.Ltmp3, $4  }
0x2d: {  	v3 =	vld.idx.msk [tilespmem:v0+s14+$0xFFFFFFF0 ss:$0x1], $0xffff;
	[tilespmem:s15+$0x10] =	vst v2  }
0x2e: {  	v1 =	vld.idx.msk [tilespmem:v0+s14+$0x0 ss:$0x1], $0xffff;
	[tilespmem:s15+$0x20] =	vst v6;
	s15 =	sadd.s32 $0x800, s15  }
0x2f: {  	v2 =	vld.idx.msk [tilespmem:v0+s14+$0x10 ss:$0x1], $0xffff;
	[tilespmem:s15+$0x30] =	vst v7  }
0x30: {  	[tilespmem:s15+$0xFFFFFFC0] =	vst v8;
	v6 =	vld.idx.msk [tilespmem:v0+s14+$0x20 ss:$0x1], $0xffff;
	s14 =	sshra.s32 s16, $0x2;
	s16 =	sadd.s32 $0x200, s16  }
0x31: {  	_ =	sdelay $0x2  }
0x32: {  	[tilespmem:s15+$0xFFFFFFD0] =	vst v5  }
0x33: {  	v56 =	vld.idx.msk [tilespmem:v0+s14+$0x30 ss:$0x1], $0xffff;
	[tilespmem:s15+$0xFFFFFFE0] =	vst v4  }
0x34: {  	v57 =	vld.idx.msk [tilespmem:v0+s14+$0xFFFFFFC0 ss:$0x1], $0xffff;
	[tilespmem:s15+$0xFFFFFFF0] =	vst v3  }
0x35: {  	v58 =	vld.idx.msk [tilespmem:v0+s14+$0xFFFFFFD0 ss:$0x1], $0xffff;
	[tilespmem:s15+$0x0] =	vst v1  }
0x36: {  	v59 =	vld.idx.msk [tilespmem:v0+s14+$0xFFFFFFE0 ss:$0x1], $0xffff;
	[tilespmem:s15+$0x10] =	vst v2  }
0x37: {  	v60 =	vld.idx.msk [tilespmem:v0+s14+$0xFFFFFFF0 ss:$0x1], $0xffff;
	s31 =	sadd.s32 $0x800, s15;
	[tilespmem:s15+$0x20] =	vst v6  }
0x38: {  	v61 =	vld.idx.msk [tilespmem:v0+s14+$0x0 ss:$0x1], $0xffff;
	[tilespmem:s31+$0x30] =	vst v56  }
0x39: {  	v62 =	vld.idx.msk [tilespmem:v0+s14+$0x10 ss:$0x1], $0xffff;
	s13 =	sadd.s32 $0x1, s13;
	[tilespmem:s31+$0xFFFFFFC0] =	vst v57  }
0x3a: {  	v63 =	vld.idx.msk [tilespmem:v0+s14+$0x20 ss:$0x1], $0xffff;
	p1 =	sne.s32 s13, $0x10;
	[tilespmem:s31+$0xFFFFFFD0] =	vst v58  }
.Ltmp4:
0x3b: {  	[tilespmem:s31+$0xFFFFFFE0] =	vst v59;
	(pc) =	sbr.rel @p1 .LBB1_3-.Ltmp4, $4  }
0x3c: {  	[tilespmem:s31+$0xFFFFFFF0] =	vst v60  }
0x3d: {  	[tilespmem:s31+$0x0] =	vst v61  }
0x3e: {  	[tilespmem:s31+$0x10] =	vst v62  }
0x3f: {  	s10 =	sadd.s32 $0x80, s10;
	s11 =	sadd.s32 $0x400, s11;
	[tilespmem:s31+$0x20] =	vst v63  }
.Ltmp5:
0x40: {  	(pc) =	sbr.rel .LBB1_7-.Ltmp5, $4  }
0x41: {  	_ = 	snop  }
0x42: {  	s9 =	sshll.u32 s9, $0xB  }
0x43: {  	s9 =	sadd.s32 s3, s9  }
0x44: {  	[hbm4b:s9+s6] =	stream.linear.scatter [tilespmem:s12], [sflag:$0x2], $0x4000, $0x38;
	[tilespmem:$0x10000] =	vst v63  }
.LBB1_8:
0x45: {  	_ =	sfence.sel $0x180000  }
0x46: {  	s2 =	simm.s32 $0x1;
	[bflag:$0x0] =	sbarrier.arrive $0xFFFF  }
0x47: {  	s31 =	simm.s32 $0x2;
	[sflag:s2] =	ssyncpa.u1 $0x1  }
0x48: {  	[sflag:s31] =	ssyncpa.u1 $0x1  }
0x49: {  	p0 =	sne.s32 s1, $0x0;
	_ =	strace $0x90000047  }
0x4a: {  	s0 =	sadd.s32 @!p0 $0x100000, s0;
	[bflag:$0x2] =	sbarrier.arrive $0xFFFF  }
0x4b: {  	[sflag:s0] =	ssyncadd.tile.s32 @!p0 $0x1;
	_ =	shalt  }
.Lfunc_end1:
_tile_overlayer_lowered:
.L_overlay_start_2:
0x4c: {  	(tag) =	ssettag $0x2  }
0x4d: {  	s0 =	rddreg [dreg:$0x0];
	s2 =	stileid.u32  }
0x4e: {  	s1 =	rddreg [dreg:$0x1];
	p0 =	sne.s32 s2, $0x0  }
0x4f: {  	s3 =	rddreg [dreg:$0x2];
	[bflag:$0x3] =	sbarrier.arrive $0xFFFF;
	s2 =	simm.s32 @!p0 $0x1C01  }
0x50: {  	[timem:s3], [sflag:s2] =	dma.local @!p0 [hbm:s0], s1  }
0x51: {  	s0 =	simm.s32 @!p0 $0x1  }
0x52: {  	_ =	swait.ge @!p0 [sflag:s0], s1  }
0x53: {  	s1 =	ssub.s32 @!p0 $0x0, s1;
	[sflag:s0] =	ssyncset.done @!p0 $0x0  }
0x54: {  	[sflag:s0] =	ssyncadd.s32 @!p0 s1  }
0x55: {  	[bflag:$0x3] =	sbarrier.arrive $0xFFFF  }
0x56: {  	_ =	shalt  }

</sc_bundles>
